<compile_context>
chip_gen: v7x
topology: tpu7x:2x2x1
jax: 0.10.2.dev20260603
libtpu: 0.0.44.dev20260713+nightly
codegen_flags: <defaults>
</compile_context>

<pallas_src>
import functools

import jax
import jax.numpy as jnp
from jax import lax
from jax.experimental import pallas as pl
from jax.experimental.pallas import tpu as pltpu
from jax.experimental.pallas import tpu_sc as plsc

_B, _C, _D, _H, _W = 2, 4, 128, 128, 128
_BC = _B * _C
_ROWS = _D * _H
_SPATIAL = _D * _H * _W
_N_TOP = int(round(_SPATIAL * 10 / 100))

_RBLK = 2048

_NW = 32
_WPR = 4
_EPW = _SPATIAL // _WPR
_CHUNK = 16384
_NCHUNK = _EPW // _CHUNK

_NBINS1 = 256
_NBINS2 = 2048


_ZBLK = 16


def _loss_body(bbox_ref, net_ref, tgt_ref, out_ref, e8_ref):
    bc = pl.program_id(0)
    i = pl.program_id(1)
    x = net_ref[0]
    t = tgt_ref[0]
    zc = i * _ZBLK + lax.broadcasted_iota(jnp.int32, (_ZBLK, 1, 1), 0)
    yc = lax.broadcasted_iota(jnp.int32, (1, _H, 1), 1)
    xc = lax.broadcasted_iota(jnp.int32, (1, 1, _W), 2)
    zm = (zc >= bbox_ref[bc, 0]) & (zc < bbox_ref[bc, 1])
    ym = (yc >= bbox_ref[bc, 2]) & (yc < bbox_ref[bc, 3])
    xm = (xc >= bbox_ref[bc, 4]) & (xc < bbox_ref[bc, 5])
    dummy = jnp.where((zm & ym) & xm, t, jnp.float32(0.0))
    loss = (jnp.maximum(x, 0.0) - x * dummy
            + jnp.log1p(jnp.exp(-jnp.abs(x))))
    out_ref[0] = loss
    key = lax.bitcast_convert_type(loss, jnp.int32)
    e = lax.shift_right_logical(key, 23).reshape(_ZBLK // 4, 4, _H, _W)
    e8_ref[0] = (e[:, 0] | (e[:, 1] << 8) | (e[:, 2] << 16)
                 | (e[:, 3] << 24))


def _compute_loss(net4, tgt4, bbox6):
    grid_spec = pltpu.PrefetchScalarGridSpec(
        num_scalar_prefetch=1,
        grid=(_BC, _D // _ZBLK),
        in_specs=[
            pl.BlockSpec((1, _ZBLK, _H, _W), lambda bc, i, bb: (bc, i, 0, 0)),
            pl.BlockSpec((1, _ZBLK, _H, _W),
                         lambda bc, i, bb: (bc // _C, i, 0, 0)),
        ],
        out_specs=[
            pl.BlockSpec((1, _ZBLK, _H, _W), lambda bc, i, bb: (bc, i, 0, 0)),
            pl.BlockSpec((1, _ZBLK // 4, _H, _W),
                         lambda bc, i, bb: (bc, i, 0, 0)),
        ],
    )
    return pl.pallas_call(
        _loss_body,
        grid_spec=grid_spec,
        out_shape=[
            jax.ShapeDtypeStruct((_BC, _D, _H, _W), jnp.float32),
            jax.ShapeDtypeStruct((_BC, _D // 4, _H, _W), jnp.int32),
        ],
    )(bbox6, net4, tgt4)


def _make_sc_hist(level2):
    nbins = 2049 if level2 else 256
    outrow = 2056 if level2 else 256
    buf_dtype = jnp.float32 if level2 else jnp.int32
    epw = _EPW if level2 else _EPW // 4
    spat = _SPATIAL if level2 else _SPATIAL // 4
    nchunk = epw // _CHUNK
    stride = 2051 if level2 else 257
    nb16 = stride * 16 + 16
    ngrp = (nbins + 15) // 16
    mesh = plsc.VectorSubcoreMesh(core_axis_name="c", subcore_axis_name="s")

    scratch = [
        pltpu.VMEM((_CHUNK,), buf_dtype),
        pltpu.VMEM((_CHUNK,), buf_dtype),
        pltpu.VMEM((nb16,), jnp.float32),
        pltpu.VMEM((nb16,), jnp.float32),
        pltpu.VMEM((16,), jnp.int32),
        pltpu.VMEM((16,), jnp.int32),
        pltpu.SemaphoreType.DMA,
        pltpu.SemaphoreType.DMA,
    ]
    if level2:
        out_type = (
            jax.ShapeDtypeStruct((_NW * outrow,), jnp.float32),
            jax.ShapeDtypeStruct((_NW * outrow,), jnp.float32),
        )
    else:
        out_type = jax.ShapeDtypeStruct((_NW * outrow,), jnp.float32)

    def body(loss_hbm, klo_hbm, khi_hbm, *rest):
        if level2:
            cnt_hbm, sum_hbm = rest[:2]
            rest = rest[2:]
        else:
            cnt_hbm = rest[0]
            rest = rest[1:]
        buf_a, buf_b, hc, hs, klo_v, khi_v, sem_a, sem_b = rest
        bufs = (buf_a, buf_b)
        sems = (sem_a, sem_b)
        w = lax.axis_index("s") * 2 + lax.axis_index("c")
        row = w // _WPR
        base = row * spat + (w % _WPR) * epw
        lane = lax.iota(jnp.int32, 16)
        lane_off = lane * stride
        zeros = jnp.zeros((16,), jnp.float32)
        ones = jnp.ones((16,), jnp.float32)

        def zinit(j, _):
            hc[pl.ds(j * 16, 16)] = zeros
            hs[pl.ds(j * 16, 16)] = zeros
            return 0
        lax.fori_loop(0, nb16 // 16, zinit, 0)

        if level2:
            pltpu.sync_copy(klo_hbm.at[pl.ds(row * 16, 16)], klo_v)
            pltpu.sync_copy(khi_hbm.at[pl.ds(row * 16, 16)], khi_v)
            klo = klo_v[...]
            khi = khi_v[...]
            ovf = jnp.full((16,), 2048, jnp.int32)

        def copy(ci, b):
            return pltpu.make_async_copy(
                loss_hbm.at[pl.ds(base + ci * _CHUNK, _CHUNK)],
                bufs[b], sems[b])

        copy(0, 0).start()
        copy(1, 1).start()

        def outer(g, _):
            for b in range(2):
                ci = g * 2 + b
                copy(ci, b).wait()
                buf = bufs[b]

                @plsc.parallel_loop(0, _CHUNK // 16, unroll=8)
                def vreg_body(vi):
                    v = buf[pl.ds(vi * 16, 16)]
                    if level2:
                        k = lax.bitcast_convert_type(v, jnp.int32)
                        sub = lax.shift_right_logical(k, 12) & 2047
                        idx = jnp.where(k < khi, sub, ovf)
                        fidx = idx + lane_off
                        msk = k >= klo
                        plsc.addupdate_scatter(hc, [fidx], ones, mask=msk)
                        plsc.addupdate_scatter(hs, [fidx], v, mask=msk)
                    else:
                        for sh in (0, 8, 16, 24):
                            idx = lax.shift_right_logical(v, sh) & 255
                            plsc.addupdate_scatter(hc, [idx + lane_off],
                                                   ones)

                @pl.when(ci + 2 < nchunk)
                def _():
                    copy(ci + 2, b).start()
            return 0
        lax.fori_loop(0, nchunk // 2, outer, 0)

        def comb(j, _):
            def inner(l, accs):
                off = l * stride + j * 16
                return (accs[0] + hc[pl.ds(off, 16)],
                        accs[1] + hs[pl.ds(off, 16)])
            acc_c, acc_s = lax.fori_loop(0, 16, inner, (zeros, zeros))
            hc[pl.ds(j * 16, 16)] = acc_c
            if level2:
                hs[pl.ds(j * 16, 16)] = acc_s
            return 0
        lax.fori_loop(0, ngrp, comb, 0)

        pltpu.sync_copy(hc.at[pl.ds(0, outrow)],
                        cnt_hbm.at[pl.ds(w * outrow, outrow)])
        if level2:
            pltpu.sync_copy(hs.at[pl.ds(0, outrow)],
                            sum_hbm.at[pl.ds(w * outrow, outrow)])

    return pl.kernel(
        body, out_type=out_type, mesh=mesh, scratch_types=scratch,
        compiler_params=pltpu.CompilerParams(needs_layout_passes=False))


def _rev_cumsum(a):
    return jnp.cumsum(a[:, ::-1], axis=1)[:, ::-1]


def kernel(net_output, target_structure, bboxes):
    net4 = net_output.reshape(_BC, _D, _H, _W)
    tgt4 = target_structure.reshape(_B, _D, _H, _W)
    bbox6 = bboxes.astype(jnp.int32).reshape(_BC, 6)

    loss, ew = _compute_loss(net4, tgt4, bbox6)
    loss_flat = loss.reshape(-1)
    key_words = ew.reshape(-1)

    dummy_bounds = jnp.zeros((_BC * 16,), jnp.int32)

    cnt1 = _make_sc_hist(False)(key_words, dummy_bounds, dummy_bounds)
    cnt1 = cnt1.reshape(_BC, _WPR, _NBINS1).sum(1).astype(jnp.int32)

    n = jnp.int32(_N_TOP)
    cum1 = _rev_cumsum(cnt1)
    b1 = jnp.sum(cum1 >= n, axis=1) - 1
    klo = b1 << 23
    khi = (b1 + 1) << 23

    klo_v = jnp.broadcast_to(klo[:, None], (_BC, 16)).reshape(-1)
    khi_v = jnp.broadcast_to(khi[:, None], (_BC, 16)).reshape(-1)

    cnt2p, sum2p = _make_sc_hist(True)(loss_flat, klo_v, khi_v)
    cnt2p = cnt2p.reshape(_BC, _WPR, 2056).sum(1)
    sum2p = sum2p.reshape(_BC, _WPR, 2056).sum(1)
    cnt2 = cnt2p[:, :_NBINS2].astype(jnp.int32)
    sum2 = sum2p[:, :_NBINS2]
    c1_above = cnt2p[:, _NBINS2].astype(jnp.int32)
    s1_above = sum2p[:, _NBINS2]

    n2 = n - c1_above
    cum2 = _rev_cumsum(cnt2)
    b2 = jnp.sum(cum2 >= n2[:, None], axis=1) - 1
    take2 = lambda a: jnp.take_along_axis(a, b2[:, None], axis=1)[:, 0]
    c2_above = take2(cum2) - take2(cnt2)
    s2_above = take2(_rev_cumsum(sum2)) - take2(sum2)
    ties = (n2 - c2_above).astype(jnp.float32)
    tie_mean = take2(sum2) / jnp.maximum(take2(cnt2), 1).astype(jnp.float32)

    row_total = s1_above + s2_above + ties * tie_mean
    return (jnp.sum(row_total) / jnp.float32(_BC * _N_TOP)).astype(jnp.float32)

# --- scband reference (transcript-rebuilt; emitter-appended) ---
"""Pipeline reference for scband-bce-top-k-loss-landmark-80814104641892 (READ-ONLY COPY).

The authoritative reference and input builder live on the scoring server;
editing this copy changes nothing except your own understanding.
"""

import jax, jax.numpy as jnp
import numpy as np

K_PERCENT = 10

def setup_inputs(seed: int = 0) -> dict:
    key = jax.random.key(seed)
    k1, k2, k3 = jax.random.split(key, 3)
    net_output = jax.random.normal(k1, (2, 4, 128, 128, 128), dtype=jnp.float32)
    target_structure = jax.random.uniform(k2, (2, 128, 128, 128), dtype=jnp.float32)
    bboxes = jnp.sort(jax.random.randint(k3, (2, 4, 3, 2), 0, 128), axis=-1).astype(jnp.int64)
    return {"net_output": net_output, "target_structure": target_structure, "bboxes": bboxes}


def _build_dummy_target(target_structure, bboxes):
    # Emulates the torch no_grad loop: for each (b, c) paste the bbox-cropped region of
    # target_structure[b] into an initially-zero dummy target (overwrite, use_max=False).
    B, C = bboxes.shape[0], bboxes.shape[1]
    D, H, W = target_structure.shape[1], target_structure.shape[2], target_structure.shape[3]
    z = jnp.arange(D)[:, None, None]
    y = jnp.arange(H)[None, :, None]
    x = jnp.arange(W)[None, None, :]
    lo = bboxes[..., 0]  # [B, C, 3]
    hi = bboxes[..., 1]  # [B, C, 3]
    mask = ((z >= lo[..., 0][:, :, None, None, None]) & (z < hi[..., 0][:, :, None, None, None]) &
            (y >= lo[..., 1][:, :, None, None, None]) & (y < hi[..., 1][:, :, None, None, None]) &
            (x >= lo[..., 2][:, :, None, None, None]) & (x < hi[..., 2][:, :, None, None, None]))
    # mask: [B, C, D, H, W]; broadcast target over channel dim
    return jnp.where(mask, target_structure[:, None, :, :, :], jnp.float32(0.0))


def reference(net_output, target_structure, bboxes):
    # dummy target is built under torch.no_grad -> constant w.r.t. autodiff
    dummy = jax.lax.stop_gradient(_build_dummy_target(target_structure, bboxes))
    # BCEWithLogitsLoss(reduction='none'), numerically stable form
    loss = jnp.maximum(net_output, 0.0) - net_output * dummy + jnp.log1p(jnp.exp(-jnp.abs(net_output)))
    spatial = loss.shape[-3] * loss.shape[-2] * loss.shape[-1]
    n = max(1, int(round(spatial * K_PERCENT / 100)))
    loss = loss.reshape(loss.shape[0], loss.shape[1], -1)
    vals, _ = jax.lax.top_k(loss, n)  # sorted=False in torch; mean is order-invariant
    return vals.mean()

if __name__ == "__main__":
    import jax
    _d = setup_inputs()
    print(jax.jit(kernel)(*tuple(_d.values())))

</pallas_src>

<mosaic_0001>
#map = affine_map<(d0, d1) -> (0)>
module attributes {stable_mosaic.version = 14 : i64} {
  func.func @body(%arg0: i32, %arg1: i32, %arg2: memref<4194304xi32, #tpu.memory_space<hbm>>, %arg3: memref<128xi32, #tpu.memory_space<hbm>>, %arg4: memref<128xi32, #tpu.memory_space<hbm>>, %arg5: memref<8192xf32, #tpu.memory_space<hbm>>, %arg6: memref<16384xi32, #tpu.memory_space<vmem>>, %arg7: memref<16384xi32, #tpu.memory_space<vmem>>, %arg8: memref<4128xf32, #tpu.memory_space<vmem>>, %arg9: memref<4128xf32, #tpu.memory_space<vmem>>, %arg10: memref<16xi32, #tpu.memory_space<vmem>>, %arg11: memref<16xi32, #tpu.memory_space<vmem>>, %arg12: memref<!tpu.dma_semaphore, #tpu.memory_space<semaphore_mem>>, %arg13: memref<!tpu.dma_semaphore, #tpu.memory_space<semaphore_mem>>) attributes {dimension_semantics = [#tpu.dimension_semantics<core_parallel>, #tpu.dimension_semantics<subcore_parallel>], iteration_bounds = array<i64: 2, 16>, scalar_prefetch = 0 : i64, scratch_operands = 8 : i64, tpu.core_type = #tpu.core_type<sc_vector_subcore>, window_params = [{transform_indices = #map}, {transform_indices = #map}, {transform_indices = #map}, {transform_indices = #map}]} {
    %mul3A = arith.constant 2 : i32
    %mul3A_0 = arith.muli %arg1, %mul3A : i32
    %add3A = arith.addi %mul3A_0, %arg0 : i32
    %jit3A = arith.constant 4 : i32
    %div3A = arith.divsi %add3A, %jit3A : i32
    %sign3A = arith.constant 0 : i32
    %sign3A_1 = arith.cmpi sgt, %add3A, %sign3A : i32
    %sign3A_2 = arith.extui %sign3A_1 : i1 to i32
    %sign3A_3 = arith.constant 0 : i32
    %sign3A_4 = arith.cmpi slt, %add3A, %sign3A_3 : i32
    %sign3A_5 = arith.extui %sign3A_4 : i1 to i32
    %sign3A_6 = arith.subi %sign3A_2, %sign3A_5 : i32
    %sign3A_7 = arith.constant 0 : i32
    %sign3A_8 = arith.cmpi sgt, %jit3A, %sign3A_7 : i32
    %sign3A_9 = arith.extui %sign3A_8 : i1 to i32
    %sign3A_10 = arith.constant 0 : i32
    %sign3A_11 = arith.cmpi slt, %jit3A, %sign3A_10 : i32
    %sign3A_12 = arith.extui %sign3A_11 : i1 to i32
    %sign3A_13 = arith.subi %sign3A_9, %sign3A_12 : i32
    %ne3A = arith.cmpi ne, %sign3A_6, %sign3A_13 : i32
    %rem3A = arith.remsi %add3A, %jit3A : i32
    %ne3A_14 = arith.constant 0 : i32
    %ne3A_15 = arith.cmpi ne, %rem3A, %ne3A_14 : i32
    %and3A = arith.andi %ne3A, %ne3A_15 : i1
    %sub3A = arith.constant 1 : i32
    %sub3A_16 = arith.subi %div3A, %sub3A : i32
    %select_n3A = arith.select %and3A, %sub3A_16, %div3A : i32
    %mul3A_17 = arith.constant 524288 : i32
    %mul3A_18 = arith.muli %select_n3A, %mul3A_17 : i32
    %jit3A_19 = arith.constant 4 : i32
    %eq3A = arith.constant 0 : i32
    %eq3A_20 = arith.cmpi eq, %jit3A_19, %eq3A : i32
    %jit3A_21 = arith.constant 1 : i32
    %select_n3A_22 = arith.select %eq3A_20, %jit3A_21, %jit3A_19 : i32
    %rem3A_23 = arith.remsi %add3A, %select_n3A_22 : i32
    %ne3A_24 = arith.constant 0 : i32
    %ne3A_25 = arith.cmpi ne, %rem3A_23, %ne3A_24 : i32
    %lt3A = arith.constant 0 : i32
    %lt3A_26 = arith.cmpi slt, %rem3A_23, %lt3A : i32
    %lt3A_27 = arith.constant 0 : i32
    %lt3A_28 = arith.cmpi slt, %select_n3A_22, %lt3A_27 : i32
    %ne3A_29 = arith.xori %lt3A_26, %lt3A_28 : i1
    %and3A_30 = arith.andi %ne3A_29, %ne3A_25 : i1
    %add3A_31 = arith.addi %rem3A_23, %select_n3A_22 : i32
    %select_n3A_32 = arith.select %and3A_30, %add3A_31, %rem3A_23 : i32
    %mul3A_33 = arith.constant 131072 : i32
    %mul3A_34 = arith.muli %select_n3A_32, %mul3A_33 : i32
    %add3A_35 = arith.addi %mul3A_18, %mul3A_34 : i32
    %iota3A = tpu.iota {dimensions = array<i32: 0>} : vector<16xi32>
    %mul3A_36 = arith.constant 257 : i32
    %mul3A_37 = vector.broadcast %mul3A_36 : i32 to vector<16xi32>
    %mul3A_38 = arith.muli %iota3A, %mul3A_37 : vector<16xi32>
    %broadcast_in_dim3A = arith.constant 0.000000e+00 : f32
    %broadcast_in_dim3A_39 = vector.broadcast %broadcast_in_dim3A : f32 to vector<16xf32>
    %broadcast_in_dim3A_40 = arith.constant 1.000000e+00 : f32
    %broadcast_in_dim3A_41 = vector.broadcast %broadcast_in_dim3A_40 : f32 to vector<16xf32>
    %scan3A = arith.constant 0 : i32
    %scan3A_42 = arith.constant 0 : i32
    %scan3A_43 = arith.constant 258 : i32
    %scan3A_44 = arith.addi %scan3A_42, %scan3A_43 : i32
    %scan3A_45 = arith.constant 1 : i32
    %scan3A_46 = scf.for %scan3A_71 = %scan3A_42 to %scan3A_44 step %scan3A_45 iter_args(%scan3A_72 = %scan3A) -> (i32)  : i32 {
      %mul3A_73 = arith.constant 16 : i32
      %mul3A_74 = arith.muli %scan3A_71, %mul3A_73 : i32
      %swap3A = arith.index_cast %mul3A_74 : i32 to index
      %swap3A_75 = tpu.vector_load %arg8[%swap3A] {strides = array<i32>} : memref<4128xf32, #tpu.memory_space<vmem>>, vector<16xf32>,
      tpu.vector_store %arg8[%swap3A], %broadcast_in_dim3A_39 {strides = array<i32>} : memref<4128xf32, #tpu.memory_space<vmem>>, vector<16xf32>,
      %mul3A_76 = arith.constant 16 : i32
      %mul3A_77 = arith.muli %scan3A_71, %mul3A_76 : i32
      %swap3A_78 = arith.index_cast %mul3A_77 : i32 to index
      %swap3A_79 = tpu.vector_load %arg9[%swap3A_78] {strides = array<i32>} : memref<4128xf32, #tpu.memory_space<vmem>>, vector<16xf32>,
      tpu.vector_store %arg9[%swap3A_78], %broadcast_in_dim3A_39 {strides = array<i32>} : memref<4128xf32, #tpu.memory_space<vmem>>, vector<16xf32>,
      %scan3A_80 = arith.constant 0 : i32
      scf.yield %scan3A_80 : i32
    }
    %scan3A_47 = arith.constant 258 : i32
    %add3A_48 = arith.constant 0 : i32
    %add3A_49 = arith.addi %add3A_35, %add3A_48 : i32
    %dma_start3A = tpu.memref_slice %arg2[%add3A_49] : memref<4194304xi32, #tpu.memory_space<hbm>> -> memref<16384xi32, #tpu.memory_space<hbm>>
    %dma_start3A_50 = tpu.memref_slice %arg2[%add3A_49] : memref<4194304xi32, #tpu.memory_space<hbm>> -> memref<16384xi32, #tpu.memory_space<hbm>>
    tpu.enqueue_dma source(%dma_start3A_50 : memref<16384xi32, #tpu.memory_space<hbm>>) target(%arg6 : memref<16384xi32, #tpu.memory_space<vmem>>) target_semaphore(%arg12 : memref<!tpu.dma_semaphore, #tpu.memory_space<semaphore_mem>>)
    %add3A_51 = arith.constant 16384 : i32
    %add3A_52 = arith.addi %add3A_35, %add3A_51 : i32
    %dma_start3A_53 = tpu.memref_slice %arg2[%add3A_52] : memref<4194304xi32, #tpu.memory_space<hbm>> -> memref<16384xi32, #tpu.memory_space<hbm>>
    %dma_start3A_54 = tpu.memref_slice %arg2[%add3A_52] : memref<4194304xi32, #tpu.memory_space<hbm>> -> memref<16384xi32, #tpu.memory_space<hbm>>
    tpu.enqueue_dma source(%dma_start3A_54 : memref<16384xi32, #tpu.memory_space<hbm>>) target(%arg7 : memref<16384xi32, #tpu.memory_space<vmem>>) target_semaphore(%arg13 : memref<!tpu.dma_semaphore, #tpu.memory_space<semaphore_mem>>)
    %scan3A_55 = arith.constant 0 : i32
    %scan3A_56 = arith.constant 0 : i32
    %scan3A_57 = arith.constant 4 : i32
    %scan3A_58 = arith.addi %scan3A_56, %scan3A_57 : i32
    %scan3A_59 = arith.constant 1 : i32
    %scan3A_60 = scf.for %scan3A_71 = %scan3A_56 to %scan3A_58 step %scan3A_59 iter_args(%scan3A_72 = %scan3A_55) -> (i32)  : i32 {
      %mul3A_73 = arith.constant 2 : i32
      %mul3A_74 = arith.muli %scan3A_71, %mul3A_73 : i32
      %add3A_75 = arith.constant 0 : i32
      %add3A_76 = arith.addi %mul3A_74, %add3A_75 : i32
      %mul3A_77 = arith.constant 16384 : i32
      %mul3A_78 = arith.muli %add3A_76, %mul3A_77 : i32
      %add3A_79 = arith.addi %add3A_35, %mul3A_78 : i32
      %dma_wait3A = tpu.memref_slice %arg2[%add3A_79] : memref<4194304xi32, #tpu.memory_space<hbm>> -> memref<16384xi32, #tpu.memory_space<hbm>>
      %dma_wait3A_80 = tpu.memref_slice %arg2[%add3A_79] : memref<4194304xi32, #tpu.memory_space<hbm>> -> memref<16384xi32, #tpu.memory_space<hbm>>
      tpu.wait_dma2 semaphore(%arg12 : memref<!tpu.dma_semaphore, #tpu.memory_space<semaphore_mem>>) src(%dma_wait3A_80 : memref<16384xi32, #tpu.memory_space<hbm>>) dst(%arg6 : memref<16384xi32, #tpu.memory_space<vmem>>)
      %parallel_loop3A = arith.constant 0 : i32
      %parallel_loop3A_81 = arith.constant 1024 : i32
      %parallel_loop3A_82 = arith.constant 1 : i32
      scf.for %parallel_loop3A_108 = %parallel_loop3A to %parallel_loop3A_81 step %parallel_loop3A_82  : i32 {
        %parallel_loop3A_109 = arith.constant 16 : i32
        %parallel_loop3A_110 = arith.muli %parallel_loop3A_108, %parallel_loop3A_109 : i32
        %parallel_loop3A_111 = arith.index_cast %parallel_loop3A_110 : i32 to index
        %parallel_loop3A_112 = tpu.vector_load %arg6[%parallel_loop3A_111] {strides = array<i32>} : memref<16384xi32, #tpu.memory_space<vmem>>, vector<16xi32>,
        %parallel_loop3A_113 = arith.constant 0 : i32
        %parallel_loop3A_114 = vector.broadcast %parallel_loop3A_113 : i32 to vector<16xi32>
        %parallel_loop3A_115 = arith.shrui %parallel_loop3A_112, %parallel_loop3A_114 : vector<16xi32>
        %parallel_loop3A_116 = arith.constant 255 : i32
        %parallel_loop3A_117 = vector.broadcast %parallel_loop3A_116 : i32 to vector<16xi32>
        %parallel_loop3A_118 = arith.andi %parallel_loop3A_115, %parallel_loop3A_117 : vector<16xi32>
        %parallel_loop3A_119 = arith.addi %parallel_loop3A_118, %mul3A_38 : vector<16xi32>
        tpu.vector_store_idx %arg8[%parallel_loop3A_119], %broadcast_in_dim3A_41 {add = true} : memref<4128xf32, #tpu.memory_space<vmem>>[vector<16xi32>], vector<16xf32>,
        %parallel_loop3A_120 = arith.constant 8 : i32
        %parallel_loop3A_121 = vector.broadcast %parallel_loop3A_120 : i32 to vector<16xi32>
        %parallel_loop3A_122 = arith.shrui %parallel_loop3A_112, %parallel_loop3A_121 : vector<16xi32>
        %parallel_loop3A_123 = arith.constant 255 : i32
        %parallel_loop3A_124 = vector.broadcast %parallel_loop3A_123 : i32 to vector<16xi32>
        %parallel_loop3A_125 = arith.andi %parallel_loop3A_122, %parallel_loop3A_124 : vector<16xi32>
        %parallel_loop3A_126 = arith.addi %parallel_loop3A_125, %mul3A_38 : vector<16xi32>
        tpu.vector_store_idx %arg8[%parallel_loop3A_126], %broadcast_in_dim3A_41 {add = true} : memref<4128xf32, #tpu.memory_space<vmem>>[vector<16xi32>], vector<16xf32>,
        %parallel_loop3A_127 = arith.constant 16 : i32
        %parallel_loop3A_128 = vector.broadcast %parallel_loop3A_127 : i32 to vector<16xi32>
        %parallel_loop3A_129 = arith.shrui %parallel_loop3A_112, %parallel_loop3A_128 : vector<16xi32>
        %parallel_loop3A_130 = arith.constant 255 : i32
        %parallel_loop3A_131 = vector.broadcast %parallel_loop3A_130 : i32 to vector<16xi32>
        %parallel_loop3A_132 = arith.andi %parallel_loop3A_129, %parallel_loop3A_131 : vector<16xi32>
        %parallel_loop3A_133 = arith.addi %parallel_loop3A_132, %mul3A_38 : vector<16xi32>
        tpu.vector_store_idx %arg8[%parallel_loop3A_133], %broadcast_in_dim3A_41 {add = true} : memref<4128xf32, #tpu.memory_space<vmem>>[vector<16xi32>], vector<16xf32>,
        %parallel_loop3A_134 = arith.constant 24 : i32
        %parallel_loop3A_135 = vector.broadcast %parallel_loop3A_134 : i32 to vector<16xi32>
        %parallel_loop3A_136 = arith.shrui %parallel_loop3A_112, %parallel_loop3A_135 : vector<16xi32>
        %parallel_loop3A_137 = arith.constant 255 : i32
        %parallel_loop3A_138 = vector.broadcast %parallel_loop3A_137 : i32 to vector<16xi32>
        %parallel_loop3A_139 = arith.andi %parallel_loop3A_136, %parallel_loop3A_138 : vector<16xi32>
        %parallel_loop3A_140 = arith.addi %parallel_loop3A_139, %mul3A_38 : vector<16xi32>
        tpu.vector_store_idx %arg8[%parallel_loop3A_140], %broadcast_in_dim3A_41 {add = true} : memref<4128xf32, #tpu.memory_space<vmem>>[vector<16xi32>], vector<16xf32>,
      } {sc.loop_unroll_factor = 8 : i64, sc.parallel_access}
      %add3A_83 = arith.constant 2 : i32
      %add3A_84 = arith.addi %add3A_76, %add3A_83 : i32
      %lt3A_85 = arith.constant 8 : i32
      %lt3A_86 = arith.cmpi slt, %add3A_84, %lt3A_85 : i32
      %convert_element_type3A = arith.extui %lt3A_86 : i1 to i32
      %cond3A = arith.constant 0 : i32
      %cond3A_87 = arith.cmpi ne, %convert_element_type3A, %cond3A : i32
      scf.if %cond3A_87 {
        %add3A_108 = arith.constant 2 : i32
        %add3A_109 = arith.addi %add3A_76, %add3A_108 : i32
        %mul3A_110 = arith.constant 16384 : i32
        %mul3A_111 = arith.muli %add3A_109, %mul3A_110 : i32
        %add3A_112 = arith.addi %add3A_35, %mul3A_111 : i32
        %dma_start3A_113 = tpu.memref_slice %arg2[%add3A_112] : memref<4194304xi32, #tpu.memory_space<hbm>> -> memref<16384xi32, #tpu.memory_space<hbm>>
        %dma_start3A_114 = tpu.memref_slice %arg2[%add3A_112] : memref<4194304xi32, #tpu.memory_space<hbm>> -> memref<16384xi32, #tpu.memory_space<hbm>>
        tpu.enqueue_dma source(%dma_start3A_114 : memref<16384xi32, #tpu.memory_space<hbm>>) target(%arg6 : memref<16384xi32, #tpu.memory_space<vmem>>) target_semaphore(%arg12 : memref<!tpu.dma_semaphore, #tpu.memory_space<semaphore_mem>>)
      } else {
      }
      %mul3A_88 = arith.constant 2 : i32
      %mul3A_89 = arith.muli %scan3A_71, %mul3A_88 : i32
      %add3A_90 = arith.constant 1 : i32
      %add3A_91 = arith.addi %mul3A_89, %add3A_90 : i32
      %mul3A_92 = arith.constant 16384 : i32
      %mul3A_93 = arith.muli %add3A_91, %mul3A_92 : i32
      %add3A_94 = arith.addi %add3A_35, %mul3A_93 : i32
      %dma_wait3A_95 = tpu.memref_slice %arg2[%add3A_94] : memref<4194304xi32, #tpu.memory_space<hbm>> -> memref<16384xi32, #tpu.memory_space<hbm>>
      %dma_wait3A_96 = tpu.memref_slice %arg2[%add3A_94] : memref<4194304xi32, #tpu.memory_space<hbm>> -> memref<16384xi32, #tpu.memory_space<hbm>>
      tpu.wait_dma2 semaphore(%arg13 : memref<!tpu.dma_semaphore, #tpu.memory_space<semaphore_mem>>) src(%dma_wait3A_96 : memref<16384xi32, #tpu.memory_space<hbm>>) dst(%arg7 : memref<16384xi32, #tpu.memory_space<vmem>>)
      %parallel_loop3A_97 = arith.constant 0 : i32
      %parallel_loop3A_98 = arith.constant 1024 : i32
      %parallel_loop3A_99 = arith.constant 1 : i32
      scf.for %parallel_loop3A_108 = %parallel_loop3A_97 to %parallel_loop3A_98 step %parallel_loop3A_99  : i32 {
        %parallel_loop3A_109 = arith.constant 16 : i32
        %parallel_loop3A_110 = arith.muli %parallel_loop3A_108, %parallel_loop3A_109 : i32
        %parallel_loop3A_111 = arith.index_cast %parallel_loop3A_110 : i32 to index
        %parallel_loop3A_112 = tpu.vector_load %arg7[%parallel_loop3A_111] {strides = array<i32>} : memref<16384xi32, #tpu.memory_space<vmem>>, vector<16xi32>,
        %parallel_loop3A_113 = arith.constant 0 : i32
        %parallel_loop3A_114 = vector.broadcast %parallel_loop3A_113 : i32 to vector<16xi32>
        %parallel_loop3A_115 = arith.shrui %parallel_loop3A_112, %parallel_loop3A_114 : vector<16xi32>
        %parallel_loop3A_116 = arith.constant 255 : i32
        %parallel_loop3A_117 = vector.broadcast %parallel_loop3A_116 : i32 to vector<16xi32>
        %parallel_loop3A_118 = arith.andi %parallel_loop3A_115, %parallel_loop3A_117 : vector<16xi32>
        %parallel_loop3A_119 = arith.addi %parallel_loop3A_118, %mul3A_38 : vector<16xi32>
        tpu.vector_store_idx %arg8[%parallel_loop3A_119], %broadcast_in_dim3A_41 {add = true} : memref<4128xf32, #tpu.memory_space<vmem>>[vector<16xi32>], vector<16xf32>,
        %parallel_loop3A_120 = arith.constant 8 : i32
        %parallel_loop3A_121 = vector.broadcast %parallel_loop3A_120 : i32 to vector<16xi32>
        %parallel_loop3A_122 = arith.shrui %parallel_loop3A_112, %parallel_loop3A_121 : vector<16xi32>
        %parallel_loop3A_123 = arith.constant 255 : i32
        %parallel_loop3A_124 = vector.broadcast %parallel_loop3A_123 : i32 to vector<16xi32>
        %parallel_loop3A_125 = arith.andi %parallel_loop3A_122, %parallel_loop3A_124 : vector<16xi32>
        %parallel_loop3A_126 = arith.addi %parallel_loop3A_125, %mul3A_38 : vector<16xi32>
        tpu.vector_store_idx %arg8[%parallel_loop3A_126], %broadcast_in_dim3A_41 {add = true} : memref<4128xf32, #tpu.memory_space<vmem>>[vector<16xi32>], vector<16xf32>,
        %parallel_loop3A_127 = arith.constant 16 : i32
        %parallel_loop3A_128 = vector.broadcast %parallel_loop3A_127 : i32 to vector<16xi32>
        %parallel_loop3A_129 = arith.shrui %parallel_loop3A_112, %parallel_loop3A_128 : vector<16xi32>
        %parallel_loop3A_130 = arith.constant 255 : i32
        %parallel_loop3A_131 = vector.broadcast %parallel_loop3A_130 : i32 to vector<16xi32>
        %parallel_loop3A_132 = arith.andi %parallel_loop3A_129, %parallel_loop3A_131 : vector<16xi32>
        %parallel_loop3A_133 = arith.addi %parallel_loop3A_132, %mul3A_38 : vector<16xi32>
        tpu.vector_store_idx %arg8[%parallel_loop3A_133], %broadcast_in_dim3A_41 {add = true} : memref<4128xf32, #tpu.memory_space<vmem>>[vector<16xi32>], vector<16xf32>,
        %parallel_loop3A_134 = arith.constant 24 : i32
        %parallel_loop3A_135 = vector.broadcast %parallel_loop3A_134 : i32 to vector<16xi32>
        %parallel_loop3A_136 = arith.shrui %parallel_loop3A_112, %parallel_loop3A_135 : vector<16xi32>
        %parallel_loop3A_137 = arith.constant 255 : i32
        %parallel_loop3A_138 = vector.broadcast %parallel_loop3A_137 : i32 to vector<16xi32>
        %parallel_loop3A_139 = arith.andi %parallel_loop3A_136, %parallel_loop3A_138 : vector<16xi32>
        %parallel_loop3A_140 = arith.addi %parallel_loop3A_139, %mul3A_38 : vector<16xi32>
        tpu.vector_store_idx %arg8[%parallel_loop3A_140], %broadcast_in_dim3A_41 {add = true} : memref<4128xf32, #tpu.memory_space<vmem>>[vector<16xi32>], vector<16xf32>,
      } {sc.loop_unroll_factor = 8 : i64, sc.parallel_access}
      %add3A_100 = arith.constant 2 : i32
      %add3A_101 = arith.addi %add3A_91, %add3A_100 : i32
      %lt3A_102 = arith.constant 8 : i32
      %lt3A_103 = arith.cmpi slt, %add3A_101, %lt3A_102 : i32
      %convert_element_type3A_104 = arith.extui %lt3A_103 : i1 to i32
      %cond3A_105 = arith.constant 0 : i32
      %cond3A_106 = arith.cmpi ne, %convert_element_type3A_104, %cond3A_105 : i32
      scf.if %cond3A_106 {
        %add3A_108 = arith.constant 2 : i32
        %add3A_109 = arith.addi %add3A_91, %add3A_108 : i32
        %mul3A_110 = arith.constant 16384 : i32
        %mul3A_111 = arith.muli %add3A_109, %mul3A_110 : i32
        %add3A_112 = arith.addi %add3A_35, %mul3A_111 : i32
        %dma_start3A_113 = tpu.memref_slice %arg2[%add3A_112] : memref<4194304xi32, #tpu.memory_space<hbm>> -> memref<16384xi32, #tpu.memory_space<hbm>>
        %dma_start3A_114 = tpu.memref_slice %arg2[%add3A_112] : memref<4194304xi32, #tpu.memory_space<hbm>> -> memref<16384xi32, #tpu.memory_space<hbm>>
        tpu.enqueue_dma source(%dma_start3A_114 : memref<16384xi32, #tpu.memory_space<hbm>>) target(%arg7 : memref<16384xi32, #tpu.memory_space<vmem>>) target_semaphore(%arg13 : memref<!tpu.dma_semaphore, #tpu.memory_space<semaphore_mem>>)
      } else {
      }
      %scan3A_107 = arith.constant 0 : i32
      scf.yield %scan3A_107 : i32
    }
    %scan3A_61 = arith.constant 4 : i32
    %scan3A_62 = arith.constant 0 : i32
    %scan3A_63 = arith.constant 0 : i32
    %scan3A_64 = arith.constant 16 : i32
    %scan3A_65 = arith.addi %scan3A_63, %scan3A_64 : i32
    %scan3A_66 = arith.constant 1 : i32
    %scan3A_67 = scf.for %scan3A_71 = %scan3A_63 to %scan3A_65 step %scan3A_66 iter_args(%scan3A_72 = %scan3A_62) -> (i32)  : i32 {
      %scan3A_73 = arith.constant 0 : i32
      %scan3A_74 = arith.constant 16 : i32
      %scan3A_75 = arith.addi %scan3A_73, %scan3A_74 : i32
      %scan3A_76 = arith.constant 1 : i32
      %scan3A_77:2 = scf.for %scan3A_83 = %scan3A_73 to %scan3A_75 step %scan3A_76 iter_args(%scan3A_84 = %broadcast_in_dim3A_39, %scan3A_85 = %broadcast_in_dim3A_39) -> (vector<16xf32>, vector<16xf32>)  : i32 {
        %mul3A_86 = arith.constant 257 : i32
        %mul3A_87 = arith.muli %scan3A_83, %mul3A_86 : i32
        %mul3A_88 = arith.constant 16 : i32
        %mul3A_89 = arith.muli %scan3A_71, %mul3A_88 : i32
        %add3A_90 = arith.addi %mul3A_87, %mul3A_89 : i32
        %get3A = arith.index_cast %add3A_90 : i32 to index
        %get3A_91 = tpu.vector_load %arg8[%get3A] {strides = array<i32>} : memref<4128xf32, #tpu.memory_space<vmem>>, vector<16xf32>,
        %add3A_92 = arith.addf %scan3A_84, %get3A_91 : vector<16xf32>
        %get3A_93 = arith.index_cast %add3A_90 : i32 to index
        %get3A_94 = tpu.vector_load %arg9[%get3A_93] {strides = array<i32>} : memref<4128xf32, #tpu.memory_space<vmem>>, vector<16xf32>,
        %add3A_95 = arith.addf %scan3A_85, %get3A_94 : vector<16xf32>
        scf.yield %add3A_92, %add3A_95 : vector<16xf32>, vector<16xf32>
      }
      %scan3A_78 = arith.constant 16 : i32
      %mul3A_79 = arith.constant 16 : i32
      %mul3A_80 = arith.muli %scan3A_71, %mul3A_79 : i32
      %swap3A = arith.index_cast %mul3A_80 : i32 to index
      %swap3A_81 = tpu.vector_load %arg8[%swap3A] {strides = array<i32>} : memref<4128xf32, #tpu.memory_space<vmem>>, vector<16xf32>,
      tpu.vector_store %arg8[%swap3A], %scan3A_77#0 {strides = array<i32>} : memref<4128xf32, #tpu.memory_space<vmem>>, vector<16xf32>,
      %scan3A_82 = arith.constant 0 : i32
      scf.yield %scan3A_82 : i32
    }
    %scan3A_68 = arith.constant 16 : i32
    %mul3A_69 = arith.constant 256 : i32
    %mul3A_70 = arith.muli %add3A, %mul3A_69 : i32
    "tpu.region"() ({
      %run_scoped3A = tpu.sem_alloc : memref<!tpu.dma_semaphore, #tpu.memory_space<semaphore_mem>>
      %dma_start3A_71 = arith.constant 0 : i32
      %dma_start3A_72 = tpu.memref_slice %arg8[%dma_start3A_71] : memref<4128xf32, #tpu.memory_space<vmem>> -> memref<256xf32, #tpu.memory_space<vmem>>
      %dma_start3A_73 = tpu.memref_slice %arg5[%mul3A_70] : memref<8192xf32, #tpu.memory_space<hbm>> -> memref<256xf32, #tpu.memory_space<hbm>>
      %dma_start3A_74 = tpu.memref_slice %arg5[%mul3A_70] : memref<8192xf32, #tpu.memory_space<hbm>> -> memref<256xf32, #tpu.memory_space<hbm>>
      %dma_start3A_75 = arith.constant 0 : i32
      %dma_start3A_76 = tpu.memref_slice %arg8[%dma_start3A_75] : memref<4128xf32, #tpu.memory_space<vmem>> -> memref<256xf32, #tpu.memory_space<vmem>>
      tpu.enqueue_dma source(%dma_start3A_76 : memref<256xf32, #tpu.memory_space<vmem>>) target(%dma_start3A_74 : memref<256xf32, #tpu.memory_space<hbm>>) target_semaphore(%run_scoped3A : memref<!tpu.dma_semaphore, #tpu.memory_space<semaphore_mem>>)
      %dma_wait3A = arith.constant 0 : i32
      %dma_wait3A_77 = tpu.memref_slice %arg8[%dma_wait3A] : memref<4128xf32, #tpu.memory_space<vmem>> -> memref<256xf32, #tpu.memory_space<vmem>>
      %dma_wait3A_78 = tpu.memref_slice %arg5[%mul3A_70] : memref<8192xf32, #tpu.memory_space<hbm>> -> memref<256xf32, #tpu.memory_space<hbm>>
      %dma_wait3A_79 = tpu.memref_slice %arg5[%mul3A_70] : memref<8192xf32, #tpu.memory_space<hbm>> -> memref<256xf32, #tpu.memory_space<hbm>>
      %dma_wait3A_80 = arith.constant 0 : i32
      %dma_wait3A_81 = tpu.memref_slice %arg8[%dma_wait3A_80] : memref<4128xf32, #tpu.memory_space<vmem>> -> memref<256xf32, #tpu.memory_space<vmem>>
      tpu.wait_dma2 semaphore(%run_scoped3A : memref<!tpu.dma_semaphore, #tpu.memory_space<semaphore_mem>>) src(%dma_wait3A_81 : memref<256xf32, #tpu.memory_space<vmem>>) dst(%dma_wait3A_79 : memref<256xf32, #tpu.memory_space<hbm>>)
      tpu.yield
    }) : () -> ()
    return
  }
}

#map = affine_map<(d0, d1) -> (0)>
module attributes {stable_mosaic.version = 14 : i64} {
  func.func @body(%arg0: i32, %arg1: i32, %arg2: memref<16777216xf32, #tpu.memory_space<hbm>>, %arg3: memref<128xi32, #tpu.memory_space<hbm>>, %arg4: memref<128xi32, #tpu.memory_space<hbm>>, %arg5: memref<65792xf32, #tpu.memory_space<hbm>>, %arg6: memref<65792xf32, #tpu.memory_space<hbm>>, %arg7: memref<16384xf32, #tpu.memory_space<vmem>>, %arg8: memref<16384xf32, #tpu.memory_space<vmem>>, %arg9: memref<32832xf32, #tpu.memory_space<vmem>>, %arg10: memref<32832xf32, #tpu.memory_space<vmem>>, %arg11: memref<16xi32, #tpu.memory_space<vmem>>, %arg12: memref<16xi32, #tpu.memory_space<vmem>>, %arg13: memref<!tpu.dma_semaphore, #tpu.memory_space<semaphore_mem>>, %arg14: memref<!tpu.dma_semaphore, #tpu.memory_space<semaphore_mem>>) attributes {dimension_semantics = [#tpu.dimension_semantics<core_parallel>, #tpu.dimension_semantics<subcore_parallel>], iteration_bounds = array<i64: 2, 16>, scalar_prefetch = 0 : i64, scratch_operands = 8 : i64, tpu.core_type = #tpu.core_type<sc_vector_subcore>, window_params = [{transform_indices = #map}, {transform_indices = #map}, {transform_indices = #map}, {transform_indices = #map}, {transform_indices = #map}]} {
    %mul3A = arith.constant 2 : i32
    %mul3A_0 = arith.muli %arg1, %mul3A : i32
    %add3A = arith.addi %mul3A_0, %arg0 : i32
    %jit3A = arith.constant 4 : i32
    %div3A = arith.divsi %add3A, %jit3A : i32
    %sign3A = arith.constant 0 : i32
    %sign3A_1 = arith.cmpi sgt, %add3A, %sign3A : i32
    %sign3A_2 = arith.extui %sign3A_1 : i1 to i32
    %sign3A_3 = arith.constant 0 : i32
    %sign3A_4 = arith.cmpi slt, %add3A, %sign3A_3 : i32
    %sign3A_5 = arith.extui %sign3A_4 : i1 to i32
    %sign3A_6 = arith.subi %sign3A_2, %sign3A_5 : i32
    %sign3A_7 = arith.constant 0 : i32
    %sign3A_8 = arith.cmpi sgt, %jit3A, %sign3A_7 : i32
    %sign3A_9 = arith.extui %sign3A_8 : i1 to i32
    %sign3A_10 = arith.constant 0 : i32
    %sign3A_11 = arith.cmpi slt, %jit3A, %sign3A_10 : i32
    %sign3A_12 = arith.extui %sign3A_11 : i1 to i32
    %sign3A_13 = arith.subi %sign3A_9, %sign3A_12 : i32
    %ne3A = arith.cmpi ne, %sign3A_6, %sign3A_13 : i32
    %rem3A = arith.remsi %add3A, %jit3A : i32
    %ne3A_14 = arith.constant 0 : i32
    %ne3A_15 = arith.cmpi ne, %rem3A, %ne3A_14 : i32
    %and3A = arith.andi %ne3A, %ne3A_15 : i1
    %sub3A = arith.constant 1 : i32
    %sub3A_16 = arith.subi %div3A, %sub3A : i32
    %select_n3A = arith.select %and3A, %sub3A_16, %div3A : i32
    %mul3A_17 = arith.constant 2097152 : i32
    %mul3A_18 = arith.muli %select_n3A, %mul3A_17 : i32
    %jit3A_19 = arith.constant 4 : i32
    %eq3A = arith.constant 0 : i32
    %eq3A_20 = arith.cmpi eq, %jit3A_19, %eq3A : i32
    %jit3A_21 = arith.constant 1 : i32
    %select_n3A_22 = arith.select %eq3A_20, %jit3A_21, %jit3A_19 : i32
    %rem3A_23 = arith.remsi %add3A, %select_n3A_22 : i32
    %ne3A_24 = arith.constant 0 : i32
    %ne3A_25 = arith.cmpi ne, %rem3A_23, %ne3A_24 : i32
    %lt3A = arith.constant 0 : i32
    %lt3A_26 = arith.cmpi slt, %rem3A_23, %lt3A : i32
    %lt3A_27 = arith.constant 0 : i32
    %lt3A_28 = arith.cmpi slt, %select_n3A_22, %lt3A_27 : i32
    %ne3A_29 = arith.xori %lt3A_26, %lt3A_28 : i1
    %and3A_30 = arith.andi %ne3A_29, %ne3A_25 : i1
    %add3A_31 = arith.addi %rem3A_23, %select_n3A_22 : i32
    %select_n3A_32 = arith.select %and3A_30, %add3A_31, %rem3A_23 : i32
    %mul3A_33 = arith.constant 524288 : i32
    %mul3A_34 = arith.muli %select_n3A_32, %mul3A_33 : i32
    %add3A_35 = arith.addi %mul3A_18, %mul3A_34 : i32
    %iota3A = tpu.iota {dimensions = array<i32: 0>} : vector<16xi32>
    %mul3A_36 = arith.constant 2051 : i32
    %mul3A_37 = vector.broadcast %mul3A_36 : i32 to vector<16xi32>
    %mul3A_38 = arith.muli %iota3A, %mul3A_37 : vector<16xi32>
    %broadcast_in_dim3A = arith.constant 0.000000e+00 : f32
    %broadcast_in_dim3A_39 = vector.broadcast %broadcast_in_dim3A : f32 to vector<16xf32>
    %broadcast_in_dim3A_40 = arith.constant 1.000000e+00 : f32
    %broadcast_in_dim3A_41 = vector.broadcast %broadcast_in_dim3A_40 : f32 to vector<16xf32>
    %scan3A = arith.constant 0 : i32
    %scan3A_42 = arith.constant 0 : i32
    %scan3A_43 = arith.constant 2052 : i32
    %scan3A_44 = arith.addi %scan3A_42, %scan3A_43 : i32
    %scan3A_45 = arith.constant 1 : i32
    %scan3A_46 = scf.for %scan3A_82 = %scan3A_42 to %scan3A_44 step %scan3A_45 iter_args(%scan3A_83 = %scan3A) -> (i32)  : i32 {
      %mul3A_84 = arith.constant 16 : i32
      %mul3A_85 = arith.muli %scan3A_82, %mul3A_84 : i32
      %swap3A = arith.index_cast %mul3A_85 : i32 to index
      %swap3A_86 = tpu.vector_load %arg9[%swap3A] {strides = array<i32>} : memref<32832xf32, #tpu.memory_space<vmem>>, vector<16xf32>,
      tpu.vector_store %arg9[%swap3A], %broadcast_in_dim3A_39 {strides = array<i32>} : memref<32832xf32, #tpu.memory_space<vmem>>, vector<16xf32>,
      %mul3A_87 = arith.constant 16 : i32
      %mul3A_88 = arith.muli %scan3A_82, %mul3A_87 : i32
      %swap3A_89 = arith.index_cast %mul3A_88 : i32 to index
      %swap3A_90 = tpu.vector_load %arg10[%swap3A_89] {strides = array<i32>} : memref<32832xf32, #tpu.memory_space<vmem>>, vector<16xf32>,
      tpu.vector_store %arg10[%swap3A_89], %broadcast_in_dim3A_39 {strides = array<i32>} : memref<32832xf32, #tpu.memory_space<vmem>>, vector<16xf32>,
      %scan3A_91 = arith.constant 0 : i32
      scf.yield %scan3A_91 : i32
    }
    %scan3A_47 = arith.constant 2052 : i32
    %mul3A_48 = arith.constant 16 : i32
    %mul3A_49 = arith.muli %select_n3A, %mul3A_48 : i32
    "tpu.region"() ({
      %run_scoped3A = tpu.sem_alloc : memref<!tpu.dma_semaphore, #tpu.memory_space<semaphore_mem>>
      %dma_start3A_82 = tpu.memref_slice %arg3[%mul3A_49] : memref<128xi32, #tpu.memory_space<hbm>> -> memref<16xi32, #tpu.memory_space<hbm>>
      %dma_start3A_83 = tpu.memref_slice %arg3[%mul3A_49] : memref<128xi32, #tpu.memory_space<hbm>> -> memref<16xi32, #tpu.memory_space<hbm>>
      tpu.enqueue_dma source(%dma_start3A_83 : memref<16xi32, #tpu.memory_space<hbm>>) target(%arg11 : memref<16xi32, #tpu.memory_space<vmem>>) target_semaphore(%run_scoped3A : memref<!tpu.dma_semaphore, #tpu.memory_space<semaphore_mem>>)
      %dma_wait3A = tpu.memref_slice %arg3[%mul3A_49] : memref<128xi32, #tpu.memory_space<hbm>> -> memref<16xi32, #tpu.memory_space<hbm>>
      %dma_wait3A_84 = tpu.memref_slice %arg3[%mul3A_49] : memref<128xi32, #tpu.memory_space<hbm>> -> memref<16xi32, #tpu.memory_space<hbm>>
      tpu.wait_dma2 semaphore(%run_scoped3A : memref<!tpu.dma_semaphore, #tpu.memory_space<semaphore_mem>>) src(%dma_wait3A_84 : memref<16xi32, #tpu.memory_space<hbm>>) dst(%arg11 : memref<16xi32, #tpu.memory_space<vmem>>)
      tpu.yield
    }) : () -> ()
    %mul3A_50 = arith.constant 16 : i32
    %mul3A_51 = arith.muli %select_n3A, %mul3A_50 : i32
    "tpu.region"() ({
      %run_scoped3A = tpu.sem_alloc : memref<!tpu.dma_semaphore, #tpu.memory_space<semaphore_mem>>
      %dma_start3A_82 = tpu.memref_slice %arg4[%mul3A_51] : memref<128xi32, #tpu.memory_space<hbm>> -> memref<16xi32, #tpu.memory_space<hbm>>
      %dma_start3A_83 = tpu.memref_slice %arg4[%mul3A_51] : memref<128xi32, #tpu.memory_space<hbm>> -> memref<16xi32, #tpu.memory_space<hbm>>
      tpu.enqueue_dma source(%dma_start3A_83 : memref<16xi32, #tpu.memory_space<hbm>>) target(%arg12 : memref<16xi32, #tpu.memory_space<vmem>>) target_semaphore(%run_scoped3A : memref<!tpu.dma_semaphore, #tpu.memory_space<semaphore_mem>>)
      %dma_wait3A = tpu.memref_slice %arg4[%mul3A_51] : memref<128xi32, #tpu.memory_space<hbm>> -> memref<16xi32, #tpu.memory_space<hbm>>
      %dma_wait3A_84 = tpu.memref_slice %arg4[%mul3A_51] : memref<128xi32, #tpu.memory_space<hbm>> -> memref<16xi32, #tpu.memory_space<hbm>>
      tpu.wait_dma2 semaphore(%run_scoped3A : memref<!tpu.dma_semaphore, #tpu.memory_space<semaphore_mem>>) src(%dma_wait3A_84 : memref<16xi32, #tpu.memory_space<hbm>>) dst(%arg12 : memref<16xi32, #tpu.memory_space<vmem>>)
      tpu.yield
    }) : () -> ()
    %get3A = arith.constant 0 : index
    %get3A_52 = tpu.vector_load %arg11[%get3A] {strides = array<i32>} : memref<16xi32, #tpu.memory_space<vmem>>, vector<16xi32>,
    %get3A_53 = arith.constant 0 : index
    %get3A_54 = tpu.vector_load %arg12[%get3A_53] {strides = array<i32>} : memref<16xi32, #tpu.memory_space<vmem>>, vector<16xi32>,
    %broadcast_in_dim3A_55 = arith.constant 2048 : i32
    %broadcast_in_dim3A_56 = vector.broadcast %broadcast_in_dim3A_55 : i32 to vector<16xi32>
    %add3A_57 = arith.constant 0 : i32
    %add3A_58 = arith.addi %add3A_35, %add3A_57 : i32
    %dma_start3A = tpu.memref_slice %arg2[%add3A_58] : memref<16777216xf32, #tpu.memory_space<hbm>> -> memref<16384xf32, #tpu.memory_space<hbm>>
    %dma_start3A_59 = tpu.memref_slice %arg2[%add3A_58] : memref<16777216xf32, #tpu.memory_space<hbm>> -> memref<16384xf32, #tpu.memory_space<hbm>>
    tpu.enqueue_dma source(%dma_start3A_59 : memref<16384xf32, #tpu.memory_space<hbm>>) target(%arg7 : memref<16384xf32, #tpu.memory_space<vmem>>) target_semaphore(%arg13 : memref<!tpu.dma_semaphore, #tpu.memory_space<semaphore_mem>>)
    %add3A_60 = arith.constant 16384 : i32
    %add3A_61 = arith.addi %add3A_35, %add3A_60 : i32
    %dma_start3A_62 = tpu.memref_slice %arg2[%add3A_61] : memref<16777216xf32, #tpu.memory_space<hbm>> -> memref<16384xf32, #tpu.memory_space<hbm>>
    %dma_start3A_63 = tpu.memref_slice %arg2[%add3A_61] : memref<16777216xf32, #tpu.memory_space<hbm>> -> memref<16384xf32, #tpu.memory_space<hbm>>
    tpu.enqueue_dma source(%dma_start3A_63 : memref<16384xf32, #tpu.memory_space<hbm>>) target(%arg8 : memref<16384xf32, #tpu.memory_space<vmem>>) target_semaphore(%arg14 : memref<!tpu.dma_semaphore, #tpu.memory_space<semaphore_mem>>)
    %scan3A_64 = arith.constant 0 : i32
    %scan3A_65 = arith.constant 0 : i32
    %scan3A_66 = arith.constant 16 : i32
    %scan3A_67 = arith.addi %scan3A_65, %scan3A_66 : i32
    %scan3A_68 = arith.constant 1 : i32
    %scan3A_69 = scf.for %scan3A_82 = %scan3A_65 to %scan3A_67 step %scan3A_68 iter_args(%scan3A_83 = %scan3A_64) -> (i32)  : i32 {
      %mul3A_84 = arith.constant 2 : i32
      %mul3A_85 = arith.muli %scan3A_82, %mul3A_84 : i32
      %add3A_86 = arith.constant 0 : i32
      %add3A_87 = arith.addi %mul3A_85, %add3A_86 : i32
      %mul3A_88 = arith.constant 16384 : i32
      %mul3A_89 = arith.muli %add3A_87, %mul3A_88 : i32
      %add3A_90 = arith.addi %add3A_35, %mul3A_89 : i32
      %dma_wait3A = tpu.memref_slice %arg2[%add3A_90] : memref<16777216xf32, #tpu.memory_space<hbm>> -> memref<16384xf32, #tpu.memory_space<hbm>>
      %dma_wait3A_91 = tpu.memref_slice %arg2[%add3A_90] : memref<16777216xf32, #tpu.memory_space<hbm>> -> memref<16384xf32, #tpu.memory_space<hbm>>
      tpu.wait_dma2 semaphore(%arg13 : memref<!tpu.dma_semaphore, #tpu.memory_space<semaphore_mem>>) src(%dma_wait3A_91 : memref<16384xf32, #tpu.memory_space<hbm>>) dst(%arg7 : memref<16384xf32, #tpu.memory_space<vmem>>)
      %parallel_loop3A = arith.constant 0 : i32
      %parallel_loop3A_92 = arith.constant 1024 : i32
      %parallel_loop3A_93 = arith.constant 1 : i32
      scf.for %parallel_loop3A_119 = %parallel_loop3A to %parallel_loop3A_92 step %parallel_loop3A_93  : i32 {
        %parallel_loop3A_120 = arith.constant 16 : i32
        %parallel_loop3A_121 = arith.muli %parallel_loop3A_119, %parallel_loop3A_120 : i32
        %parallel_loop3A_122 = arith.index_cast %parallel_loop3A_121 : i32 to index
        %parallel_loop3A_123 = tpu.vector_load %arg7[%parallel_loop3A_122] {strides = array<i32>} : memref<16384xf32, #tpu.memory_space<vmem>>, vector<16xf32>,
        %parallel_loop3A_124 = tpu.bitcast %parallel_loop3A_123 : vector<16xf32> -> vector<16xi32>
        %parallel_loop3A_125 = arith.constant 12 : i32
        %parallel_loop3A_126 = vector.broadcast %parallel_loop3A_125 : i32 to vector<16xi32>
        %parallel_loop3A_127 = arith.shrui %parallel_loop3A_124, %parallel_loop3A_126 : vector<16xi32>
        %parallel_loop3A_128 = arith.constant 2047 : i32
        %parallel_loop3A_129 = vector.broadcast %parallel_loop3A_128 : i32 to vector<16xi32>
        %parallel_loop3A_130 = arith.andi %parallel_loop3A_127, %parallel_loop3A_129 : vector<16xi32>
        %parallel_loop3A_131 = arith.cmpi slt, %parallel_loop3A_124, %get3A_54 : vector<16xi32>
        %parallel_loop3A_132 = arith.select %parallel_loop3A_131, %parallel_loop3A_130, %broadcast_in_dim3A_56 : vector<16xi1>, vector<16xi32>
        %parallel_loop3A_133 = arith.addi %parallel_loop3A_132, %mul3A_38 : vector<16xi32>
        %parallel_loop3A_134 = arith.cmpi sge, %parallel_loop3A_124, %get3A_52 : vector<16xi32>
        tpu.vector_store_idx %arg9[%parallel_loop3A_133], %broadcast_in_dim3A_41 masked %parallel_loop3A_134 {add = true} : memref<32832xf32, #tpu.memory_space<vmem>>[vector<16xi32>], vector<16xf32>, vector<16xi1>
        tpu.vector_store_idx %arg10[%parallel_loop3A_133], %parallel_loop3A_123 masked %parallel_loop3A_134 {add = true} : memref<32832xf32, #tpu.memory_space<vmem>>[vector<16xi32>], vector<16xf32>, vector<16xi1>
      } {sc.loop_unroll_factor = 8 : i64, sc.parallel_access}
      %add3A_94 = arith.constant 2 : i32
      %add3A_95 = arith.addi %add3A_87, %add3A_94 : i32
      %lt3A_96 = arith.constant 32 : i32
      %lt3A_97 = arith.cmpi slt, %add3A_95, %lt3A_96 : i32
      %convert_element_type3A = arith.extui %lt3A_97 : i1 to i32
      %cond3A = arith.constant 0 : i32
      %cond3A_98 = arith.cmpi ne, %convert_element_type3A, %cond3A : i32
      scf.if %cond3A_98 {
        %add3A_119 = arith.constant 2 : i32
        %add3A_120 = arith.addi %add3A_87, %add3A_119 : i32
        %mul3A_121 = arith.constant 16384 : i32
        %mul3A_122 = arith.muli %add3A_120, %mul3A_121 : i32
        %add3A_123 = arith.addi %add3A_35, %mul3A_122 : i32
        %dma_start3A_124 = tpu.memref_slice %arg2[%add3A_123] : memref<16777216xf32, #tpu.memory_space<hbm>> -> memref<16384xf32, #tpu.memory_space<hbm>>
        %dma_start3A_125 = tpu.memref_slice %arg2[%add3A_123] : memref<16777216xf32, #tpu.memory_space<hbm>> -> memref<16384xf32, #tpu.memory_space<hbm>>
        tpu.enqueue_dma source(%dma_start3A_125 : memref<16384xf32, #tpu.memory_space<hbm>>) target(%arg7 : memref<16384xf32, #tpu.memory_space<vmem>>) target_semaphore(%arg13 : memref<!tpu.dma_semaphore, #tpu.memory_space<semaphore_mem>>)
      } else {
      }
      %mul3A_99 = arith.constant 2 : i32
      %mul3A_100 = arith.muli %scan3A_82, %mul3A_99 : i32
      %add3A_101 = arith.constant 1 : i32
      %add3A_102 = arith.addi %mul3A_100, %add3A_101 : i32
      %mul3A_103 = arith.constant 16384 : i32
      %mul3A_104 = arith.muli %add3A_102, %mul3A_103 : i32
      %add3A_105 = arith.addi %add3A_35, %mul3A_104 : i32
      %dma_wait3A_106 = tpu.memref_slice %arg2[%add3A_105] : memref<16777216xf32, #tpu.memory_space<hbm>> -> memref<16384xf32, #tpu.memory_space<hbm>>
      %dma_wait3A_107 = tpu.memref_slice %arg2[%add3A_105] : memref<16777216xf32, #tpu.memory_space<hbm>> -> memref<16384xf32, #tpu.memory_space<hbm>>
      tpu.wait_dma2 semaphore(%arg14 : memref<!tpu.dma_semaphore, #tpu.memory_space<semaphore_mem>>) src(%dma_wait3A_107 : memref<16384xf32, #tpu.memory_space<hbm>>) dst(%arg8 : memref<16384xf32, #tpu.memory_space<vmem>>)
      %parallel_loop3A_108 = arith.constant 0 : i32
      %parallel_loop3A_109 = arith.constant 1024 : i32
      %parallel_loop3A_110 = arith.constant 1 : i32
      scf.for %parallel_loop3A_119 = %parallel_loop3A_108 to %parallel_loop3A_109 step %parallel_loop3A_110  : i32 {
        %parallel_loop3A_120 = arith.constant 16 : i32
        %parallel_loop3A_121 = arith.muli %parallel_loop3A_119, %parallel_loop3A_120 : i32
        %parallel_loop3A_122 = arith.index_cast %parallel_loop3A_121 : i32 to index
        %parallel_loop3A_123 = tpu.vector_load %arg8[%parallel_loop3A_122] {strides = array<i32>} : memref<16384xf32, #tpu.memory_space<vmem>>, vector<16xf32>,
        %parallel_loop3A_124 = tpu.bitcast %parallel_loop3A_123 : vector<16xf32> -> vector<16xi32>
        %parallel_loop3A_125 = arith.constant 12 : i32
        %parallel_loop3A_126 = vector.broadcast %parallel_loop3A_125 : i32 to vector<16xi32>
        %parallel_loop3A_127 = arith.shrui %parallel_loop3A_124, %parallel_loop3A_126 : vector<16xi32>
        %parallel_loop3A_128 = arith.constant 2047 : i32
        %parallel_loop3A_129 = vector.broadcast %parallel_loop3A_128 : i32 to vector<16xi32>
        %parallel_loop3A_130 = arith.andi %parallel_loop3A_127, %parallel_loop3A_129 : vector<16xi32>
        %parallel_loop3A_131 = arith.cmpi slt, %parallel_loop3A_124, %get3A_54 : vector<16xi32>
        %parallel_loop3A_132 = arith.select %parallel_loop3A_131, %parallel_loop3A_130, %broadcast_in_dim3A_56 : vector<16xi1>, vector<16xi32>
        %parallel_loop3A_133 = arith.addi %parallel_loop3A_132, %mul3A_38 : vector<16xi32>
        %parallel_loop3A_134 = arith.cmpi sge, %parallel_loop3A_124, %get3A_52 : vector<16xi32>
        tpu.vector_store_idx %arg9[%parallel_loop3A_133], %broadcast_in_dim3A_41 masked %parallel_loop3A_134 {add = true} : memref<32832xf32, #tpu.memory_space<vmem>>[vector<16xi32>], vector<16xf32>, vector<16xi1>
        tpu.vector_store_idx %arg10[%parallel_loop3A_133], %parallel_loop3A_123 masked %parallel_loop3A_134 {add = true} : memref<32832xf32, #tpu.memory_space<vmem>>[vector<16xi32>], vector<16xf32>, vector<16xi1>
      } {sc.loop_unroll_factor = 8 : i64, sc.parallel_access}
      %add3A_111 = arith.constant 2 : i32
      %add3A_112 = arith.addi %add3A_102, %add3A_111 : i32
      %lt3A_113 = arith.constant 32 : i32
      %lt3A_114 = arith.cmpi slt, %add3A_112, %lt3A_113 : i32
      %convert_element_type3A_115 = arith.extui %lt3A_114 : i1 to i32
      %cond3A_116 = arith.constant 0 : i32
      %cond3A_117 = arith.cmpi ne, %convert_element_type3A_115, %cond3A_116 : i32
      scf.if %cond3A_117 {
        %add3A_119 = arith.constant 2 : i32
        %add3A_120 = arith.addi %add3A_102, %add3A_119 : i32
        %mul3A_121 = arith.constant 16384 : i32
        %mul3A_122 = arith.muli %add3A_120, %mul3A_121 : i32
        %add3A_123 = arith.addi %add3A_35, %mul3A_122 : i32
        %dma_start3A_124 = tpu.memref_slice %arg2[%add3A_123] : memref<16777216xf32, #tpu.memory_space<hbm>> -> memref<16384xf32, #tpu.memory_space<hbm>>
        %dma_start3A_125 = tpu.memref_slice %arg2[%add3A_123] : memref<16777216xf32, #tpu.memory_space<hbm>> -> memref<16384xf32, #tpu.memory_space<hbm>>
        tpu.enqueue_dma source(%dma_start3A_125 : memref<16384xf32, #tpu.memory_space<hbm>>) target(%arg8 : memref<16384xf32, #tpu.memory_space<vmem>>) target_semaphore(%arg14 : memref<!tpu.dma_semaphore, #tpu.memory_space<semaphore_mem>>)
      } else {
      }
      %scan3A_118 = arith.constant 0 : i32
      scf.yield %scan3A_118 : i32
    }
    %scan3A_70 = arith.constant 16 : i32
    %scan3A_71 = arith.constant 0 : i32
    %scan3A_72 = arith.constant 0 : i32
    %scan3A_73 = arith.constant 129 : i32
    %scan3A_74 = arith.addi %scan3A_72, %scan3A_73 : i32
    %scan3A_75 = arith.constant 1 : i32
    %scan3A_76 = scf.for %scan3A_82 = %scan3A_72 to %scan3A_74 step %scan3A_75 iter_args(%scan3A_83 = %scan3A_71) -> (i32)  : i32 {
      %scan3A_84 = arith.constant 0 : i32
      %scan3A_85 = arith.constant 16 : i32
      %scan3A_86 = arith.addi %scan3A_84, %scan3A_85 : i32
      %scan3A_87 = arith.constant 1 : i32
      %scan3A_88:2 = scf.for %scan3A_98 = %scan3A_84 to %scan3A_86 step %scan3A_87 iter_args(%scan3A_99 = %broadcast_in_dim3A_39, %scan3A_100 = %broadcast_in_dim3A_39) -> (vector<16xf32>, vector<16xf32>)  : i32 {
        %mul3A_101 = arith.constant 2051 : i32
        %mul3A_102 = arith.muli %scan3A_98, %mul3A_101 : i32
        %mul3A_103 = arith.constant 16 : i32
        %mul3A_104 = arith.muli %scan3A_82, %mul3A_103 : i32
        %add3A_105 = arith.addi %mul3A_102, %mul3A_104 : i32
        %get3A_106 = arith.index_cast %add3A_105 : i32 to index
        %get3A_107 = tpu.vector_load %arg9[%get3A_106] {strides = array<i32>} : memref<32832xf32, #tpu.memory_space<vmem>>, vector<16xf32>,
        %add3A_108 = arith.addf %scan3A_99, %get3A_107 : vector<16xf32>
        %get3A_109 = arith.index_cast %add3A_105 : i32 to index
        %get3A_110 = tpu.vector_load %arg10[%get3A_109] {strides = array<i32>} : memref<32832xf32, #tpu.memory_space<vmem>>, vector<16xf32>,
        %add3A_111 = arith.addf %scan3A_100, %get3A_110 : vector<16xf32>
        scf.yield %add3A_108, %add3A_111 : vector<16xf32>, vector<16xf32>
      }
      %scan3A_89 = arith.constant 16 : i32
      %mul3A_90 = arith.constant 16 : i32
      %mul3A_91 = arith.muli %scan3A_82, %mul3A_90 : i32
      %swap3A = arith.index_cast %mul3A_91 : i32 to index
      %swap3A_92 = tpu.vector_load %arg9[%swap3A] {strides = array<i32>} : memref<32832xf32, #tpu.memory_space<vmem>>, vector<16xf32>,
      tpu.vector_store %arg9[%swap3A], %scan3A_88#0 {strides = array<i32>} : memref<32832xf32, #tpu.memory_space<vmem>>, vector<16xf32>,
      %mul3A_93 = arith.constant 16 : i32
      %mul3A_94 = arith.muli %scan3A_82, %mul3A_93 : i32
      %swap3A_95 = arith.index_cast %mul3A_94 : i32 to index
      %swap3A_96 = tpu.vector_load %arg10[%swap3A_95] {strides = array<i32>} : memref<32832xf32, #tpu.memory_space<vmem>>, vector<16xf32>,
      tpu.vector_store %arg10[%swap3A_95], %scan3A_88#1 {strides = array<i32>} : memref<32832xf32, #tpu.memory_space<vmem>>, vector<16xf32>,
      %scan3A_97 = arith.constant 0 : i32
      scf.yield %scan3A_97 : i32
    }
    %scan3A_77 = arith.constant 129 : i32
    %mul3A_78 = arith.constant 2056 : i32
    %mul3A_79 = arith.muli %add3A, %mul3A_78 : i32
    "tpu.region"() ({
      %run_scoped3A = tpu.sem_alloc : memref<!tpu.dma_semaphore, #tpu.memory_space<semaphore_mem>>
      %dma_start3A_82 = arith.constant 0 : i32
      %dma_start3A_83 = tpu.memref_slice %arg9[%dma_start3A_82] : memref<32832xf32, #tpu.memory_space<vmem>> -> memref<2056xf32, #tpu.memory_space<vmem>>
      %dma_start3A_84 = tpu.memref_slice %arg5[%mul3A_79] : memref<65792xf32, #tpu.memory_space<hbm>> -> memref<2056xf32, #tpu.memory_space<hbm>>
      %dma_start3A_85 = tpu.memref_slice %arg5[%mul3A_79] : memref<65792xf32, #tpu.memory_space<hbm>> -> memref<2056xf32, #tpu.memory_space<hbm>>
      %dma_start3A_86 = arith.constant 0 : i32
      %dma_start3A_87 = tpu.memref_slice %arg9[%dma_start3A_86] : memref<32832xf32, #tpu.memory_space<vmem>> -> memref<2056xf32, #tpu.memory_space<vmem>>
      tpu.enqueue_dma source(%dma_start3A_87 : memref<2056xf32, #tpu.memory_space<vmem>>) target(%dma_start3A_85 : memref<2056xf32, #tpu.memory_space<hbm>>) target_semaphore(%run_scoped3A : memref<!tpu.dma_semaphore, #tpu.memory_space<semaphore_mem>>)
      %dma_wait3A = arith.constant 0 : i32
      %dma_wait3A_88 = tpu.memref_slice %arg9[%dma_wait3A] : memref<32832xf32, #tpu.memory_space<vmem>> -> memref<2056xf32, #tpu.memory_space<vmem>>
      %dma_wait3A_89 = tpu.memref_slice %arg5[%mul3A_79] : memref<65792xf32, #tpu.memory_space<hbm>> -> memref<2056xf32, #tpu.memory_space<hbm>>
      %dma_wait3A_90 = tpu.memref_slice %arg5[%mul3A_79] : memref<65792xf32, #tpu.memory_space<hbm>> -> memref<2056xf32, #tpu.memory_space<hbm>>
      %dma_wait3A_91 = arith.constant 0 : i32
      %dma_wait3A_92 = tpu.memref_slice %arg9[%dma_wait3A_91] : memref<32832xf32, #tpu.memory_space<vmem>> -> memref<2056xf32, #tpu.memory_space<vmem>>
      tpu.wait_dma2 semaphore(%run_scoped3A : memref<!tpu.dma_semaphore, #tpu.memory_space<semaphore_mem>>) src(%dma_wait3A_92 : memref<2056xf32, #tpu.memory_space<vmem>>) dst(%dma_wait3A_90 : memref<2056xf32, #tpu.memory_space<hbm>>)
      tpu.yield
    }) : () -> ()
    %mul3A_80 = arith.constant 2056 : i32
    %mul3A_81 = arith.muli %add3A, %mul3A_80 : i32
    "tpu.region"() ({
      %run_scoped3A = tpu.sem_alloc : memref<!tpu.dma_semaphore, #tpu.memory_space<semaphore_mem>>
      %dma_start3A_82 = arith.constant 0 : i32
      %dma_start3A_83 = tpu.memref_slice %arg10[%dma_start3A_82] : memref<32832xf32, #tpu.memory_space<vmem>> -> memref<2056xf32, #tpu.memory_space<vmem>>
      %dma_start3A_84 = tpu.memref_slice %arg6[%mul3A_81] : memref<65792xf32, #tpu.memory_space<hbm>> -> memref<2056xf32, #tpu.memory_space<hbm>>
      %dma_start3A_85 = tpu.memref_slice %arg6[%mul3A_81] : memref<65792xf32, #tpu.memory_space<hbm>> -> memref<2056xf32, #tpu.memory_space<hbm>>
      %dma_start3A_86 = arith.constant 0 : i32
      %dma_start3A_87 = tpu.memref_slice %arg10[%dma_start3A_86] : memref<32832xf32, #tpu.memory_space<vmem>> -> memref<2056xf32, #tpu.memory_space<vmem>>
      tpu.enqueue_dma source(%dma_start3A_87 : memref<2056xf32, #tpu.memory_space<vmem>>) target(%dma_start3A_85 : memref<2056xf32, #tpu.memory_space<hbm>>) target_semaphore(%run_scoped3A : memref<!tpu.dma_semaphore, #tpu.memory_space<semaphore_mem>>)
      %dma_wait3A = arith.constant 0 : i32
      %dma_wait3A_88 = tpu.memref_slice %arg10[%dma_wait3A] : memref<32832xf32, #tpu.memory_space<vmem>> -> memref<2056xf32, #tpu.memory_space<vmem>>
      %dma_wait3A_89 = tpu.memref_slice %arg6[%mul3A_81] : memref<65792xf32, #tpu.memory_space<hbm>> -> memref<2056xf32, #tpu.memory_space<hbm>>
      %dma_wait3A_90 = tpu.memref_slice %arg6[%mul3A_81] : memref<65792xf32, #tpu.memory_space<hbm>> -> memref<2056xf32, #tpu.memory_space<hbm>>
      %dma_wait3A_91 = arith.constant 0 : i32
      %dma_wait3A_92 = tpu.memref_slice %arg10[%dma_wait3A_91] : memref<32832xf32, #tpu.memory_space<vmem>> -> memref<2056xf32, #tpu.memory_space<vmem>>
      tpu.wait_dma2 semaphore(%run_scoped3A : memref<!tpu.dma_semaphore, #tpu.memory_space<semaphore_mem>>) src(%dma_wait3A_92 : memref<2056xf32, #tpu.memory_space<vmem>>) dst(%dma_wait3A_90 : memref<2056xf32, #tpu.memory_space<hbm>>)
      tpu.yield
    }) : () -> ()
    return
  }
}

module attributes {stable_mosaic.version = 14 : i64} {
  func.func @_loss_body(%arg0: i32, %arg1: i32, %arg2: memref<8x6xi32, #tpu.memory_space<smem>>, %arg3: memref<1x16x128x128xf32, #tpu.memory_space<vmem>>, %arg4: memref<1x16x128x128xf32, #tpu.memory_space<vmem>>, %arg5: memref<1x16x128x128xf32, #tpu.memory_space<vmem>>, %arg6: memref<1x4x128x128xi32, #tpu.memory_space<vmem>>) attributes {dimension_semantics = [#tpu.dimension_semantics<arbitrary>, #tpu.dimension_semantics<arbitrary>], iteration_bounds = array<i64: 8, 8>, scalar_prefetch = 1 : i64, scratch_operands = 0 : i64, tpu.core_type = #tpu.core_type<tc>, window_params = [{transform_indices = @transform_0, window_bounds = array<i64: 1, 16, 128, 128>}, {transform_indices = @transform_1, window_bounds = array<i64: 1, 16, 128, 128>}, {transform_indices = @transform_2, window_bounds = array<i64: 1, 16, 128, 128>}, {transform_indices = @transform_3, window_bounds = array<i64: 1, 4, 128, 128>}]} {
    %get3A = arith.constant 0 : index
    %get3A_0 = arith.constant 0 : index
    %get3A_1 = arith.constant 0 : index
    %get3A_2 = arith.constant 0 : index
    %get3A_3 = vector.load %arg3[%get3A, %get3A_0, %get3A_1, %get3A_2] : memref<1x16x128x128xf32, #tpu.memory_space<vmem>>, vector<1x16x128x128xf32>
    %get3A_4 = vector.shape_cast %get3A_3 : vector<1x16x128x128xf32> to vector<16x128x128xf32>
    %get3A_5 = arith.constant 0 : index
    %get3A_6 = arith.constant 0 : index
    %get3A_7 = arith.constant 0 : index
    %get3A_8 = arith.constant 0 : index
    %get3A_9 = vector.load %arg4[%get3A_5, %get3A_6, %get3A_7, %get3A_8] : memref<1x16x128x128xf32, #tpu.memory_space<vmem>>, vector<1x16x128x128xf32>
    %get3A_10 = vector.shape_cast %get3A_9 : vector<1x16x128x128xf32> to vector<16x128x128xf32>
    %mul3A = arith.constant 16 : i32
    %mul3A_11 = arith.muli %arg1, %mul3A : i32
    %iota3A = tpu.iota {dimensions = array<i32: 0>} : vector<16x1x1xi32>
    %add3A = vector.broadcast %mul3A_11 : i32 to vector<16x1x1xi32>
    %add3A_12 = arith.addi %add3A, %iota3A : vector<16x1x1xi32>
    %iota3A_13 = tpu.iota {dimensions = array<i32: 1>} : vector<1x128x1xi32>
    %iota3A_14 = tpu.iota {dimensions = array<i32: 2>} : vector<1x1x128xi32>
    %get3A_15 = arith.index_cast %arg0 : i32 to index
    %get3A_16 = arith.constant 0 : index
    %get3A_17 = memref.load %arg2[%get3A_15, %get3A_16] : memref<8x6xi32, #tpu.memory_space<smem>>
    %ge3A = vector.broadcast %get3A_17 : i32 to vector<16x1x1xi32>
    %ge3A_18 = arith.cmpi sge, %add3A_12, %ge3A : vector<16x1x1xi32>
    %get3A_19 = arith.index_cast %arg0 : i32 to index
    %get3A_20 = arith.constant 1 : index
    %get3A_21 = memref.load %arg2[%get3A_19, %get3A_20] : memref<8x6xi32, #tpu.memory_space<smem>>
    %lt3A = vector.broadcast %get3A_21 : i32 to vector<16x1x1xi32>
    %lt3A_22 = arith.cmpi slt, %add3A_12, %lt3A : vector<16x1x1xi32>
    %and3A = arith.andi %ge3A_18, %lt3A_22 : vector<16x1x1xi1>
    %get3A_23 = arith.index_cast %arg0 : i32 to index
    %get3A_24 = arith.constant 2 : index
    %get3A_25 = memref.load %arg2[%get3A_23, %get3A_24] : memref<8x6xi32, #tpu.memory_space<smem>>
    %ge3A_26 = vector.broadcast %get3A_25 : i32 to vector<1x128x1xi32>
    %ge3A_27 = arith.cmpi sge, %iota3A_13, %ge3A_26 : vector<1x128x1xi32>
    %get3A_28 = arith.index_cast %arg0 : i32 to index
    %get3A_29 = arith.constant 3 : index
    %get3A_30 = memref.load %arg2[%get3A_28, %get3A_29] : memref<8x6xi32, #tpu.memory_space<smem>>
    %lt3A_31 = vector.broadcast %get3A_30 : i32 to vector<1x128x1xi32>
    %lt3A_32 = arith.cmpi slt, %iota3A_13, %lt3A_31 : vector<1x128x1xi32>
    %and3A_33 = arith.andi %ge3A_27, %lt3A_32 : vector<1x128x1xi1>
    %get3A_34 = arith.index_cast %arg0 : i32 to index
    %get3A_35 = arith.constant 4 : index
    %get3A_36 = memref.load %arg2[%get3A_34, %get3A_35] : memref<8x6xi32, #tpu.memory_space<smem>>
    %ge3A_37 = vector.broadcast %get3A_36 : i32 to vector<1x1x128xi32>
    %ge3A_38 = arith.cmpi sge, %iota3A_14, %ge3A_37 : vector<1x1x128xi32>
    %get3A_39 = arith.index_cast %arg0 : i32 to index
    %get3A_40 = arith.constant 5 : index
    %get3A_41 = memref.load %arg2[%get3A_39, %get3A_40] : memref<8x6xi32, #tpu.memory_space<smem>>
    %lt3A_42 = vector.broadcast %get3A_41 : i32 to vector<1x1x128xi32>
    %lt3A_43 = arith.cmpi slt, %iota3A_14, %lt3A_42 : vector<1x1x128xi32>
    %and3A_44 = arith.andi %ge3A_38, %lt3A_43 : vector<1x1x128xi1>
    %and3A_45 = vector.broadcast %and3A : vector<16x1x1xi1> to vector<16x128x1xi1>
    %and3A_46 = vector.broadcast %and3A_33 : vector<1x128x1xi1> to vector<16x128x1xi1>
    %and3A_47 = arith.andi %and3A_45, %and3A_46 : vector<16x128x1xi1>
    %and3A_48 = vector.broadcast %and3A_47 : vector<16x128x1xi1> to vector<16x128x128xi1>
    %and3A_49 = vector.broadcast %and3A_44 : vector<1x1x128xi1> to vector<16x128x128xi1>
    %and3A_50 = arith.andi %and3A_48, %and3A_49 : vector<16x128x128xi1>
    %jit3A = arith.constant 0.000000e+00 : f32
    %broadcast_in_dim3A = vector.broadcast %jit3A : f32 to vector<16x128x128xf32>
    %select_n3A = arith.select %and3A_50, %get3A_10, %broadcast_in_dim3A : vector<16x128x128xi1>, vector<16x128x128xf32>
    %max3A = arith.constant 0.000000e+00 : f32
    %max3A_51 = vector.broadcast %max3A : f32 to vector<16x128x128xf32>
    %max3A_52 = arith.maximumf %get3A_4, %max3A_51 : vector<16x128x128xf32>
    %mul3A_53 = arith.mulf %get3A_4, %select_n3A : vector<16x128x128xf32>
    %sub3A = arith.subf %max3A_52, %mul3A_53 : vector<16x128x128xf32>
    %abs3A = math.absf %get3A_4 : vector<16x128x128xf32>
    %neg3A = arith.constant 0.000000e+00 : f32
    %neg3A_54 = vector.broadcast %neg3A : f32 to vector<16x128x128xf32>
    %neg3A_55 = arith.subf %neg3A_54, %abs3A : vector<16x128x128xf32>
    %exp3A = math.exp %neg3A_55 : vector<16x128x128xf32>
    %log1p3A = math.log1p %exp3A : vector<16x128x128xf32>
    %add3A_56 = arith.addf %sub3A, %log1p3A : vector<16x128x128xf32>
    %swap3A = arith.constant 0 : index
    %swap3A_57 = arith.constant 0 : index
    %swap3A_58 = arith.constant 0 : index
    %swap3A_59 = arith.constant 0 : index
    %swap3A_60 = vector.load %arg5[%swap3A, %swap3A_57, %swap3A_58, %swap3A_59] : memref<1x16x128x128xf32, #tpu.memory_space<vmem>>, vector<1x16x128x128xf32>
    %swap3A_61 = vector.shape_cast %swap3A_60 : vector<1x16x128x128xf32> to vector<16x128x128xf32>
    %swap3A_62 = vector.shape_cast %add3A_56 : vector<16x128x128xf32> to vector<1x16x128x128xf32>
    tpu.vector_store %arg5[%swap3A, %swap3A_57, %swap3A_58, %swap3A_59], %swap3A_62 {strides = array<i32>} : memref<1x16x128x128xf32, #tpu.memory_space<vmem>>, vector<1x16x128x128xf32>,
    %bitcast_convert_type3A = tpu.bitcast %add3A_56 : vector<16x128x128xf32> -> vector<16x128x128xi32>
    %shift_right_logical3A = arith.constant 23 : i32
    %shift_right_logical3A_63 = vector.broadcast %shift_right_logical3A : i32 to vector<16x128x128xi32>
    %shift_right_logical3A_64 = arith.shrui %bitcast_convert_type3A, %shift_right_logical3A_63 : vector<16x128x128xi32>
    %reshape3A = vector.shape_cast %shift_right_logical3A_64 : vector<16x128x128xi32> to vector<4x4x128x128xi32>
    %slice3A = vector.extract_strided_slice %reshape3A {offsets = [0, 0, 0, 0], sizes = [4, 1, 128, 128], strides = [1, 1, 1, 1]} : vector<4x4x128x128xi32> to vector<4x1x128x128xi32>
    %squeeze3A = vector.shape_cast %slice3A : vector<4x1x128x128xi32> to vector<4x128x128xi32>
    %slice3A_65 = vector.extract_strided_slice %reshape3A {offsets = [0, 1, 0, 0], sizes = [4, 1, 128, 128], strides = [1, 1, 1, 1]} : vector<4x4x128x128xi32> to vector<4x1x128x128xi32>
    %squeeze3A_66 = vector.shape_cast %slice3A_65 : vector<4x1x128x128xi32> to vector<4x128x128xi32>
    %shift_left3A = arith.constant 8 : i32
    %shift_left3A_67 = vector.broadcast %shift_left3A : i32 to vector<4x128x128xi32>
    %shift_left3A_68 = arith.shli %squeeze3A_66, %shift_left3A_67 : vector<4x128x128xi32>
    %or3A = arith.ori %squeeze3A, %shift_left3A_68 : vector<4x128x128xi32>
    %slice3A_69 = vector.extract_strided_slice %reshape3A {offsets = [0, 2, 0, 0], sizes = [4, 1, 128, 128], strides = [1, 1, 1, 1]} : vector<4x4x128x128xi32> to vector<4x1x128x128xi32>
    %squeeze3A_70 = vector.shape_cast %slice3A_69 : vector<4x1x128x128xi32> to vector<4x128x128xi32>
    %shift_left3A_71 = arith.constant 16 : i32
    %shift_left3A_72 = vector.broadcast %shift_left3A_71 : i32 to vector<4x128x128xi32>
    %shift_left3A_73 = arith.shli %squeeze3A_70, %shift_left3A_72 : vector<4x128x128xi32>
    %or3A_74 = arith.ori %or3A, %shift_left3A_73 : vector<4x128x128xi32>
    %slice3A_75 = vector.extract_strided_slice %reshape3A {offsets = [0, 3, 0, 0], sizes = [4, 1, 128, 128], strides = [1, 1, 1, 1]} : vector<4x4x128x128xi32> to vector<4x1x128x128xi32>
    %squeeze3A_76 = vector.shape_cast %slice3A_75 : vector<4x1x128x128xi32> to vector<4x128x128xi32>
    %shift_left3A_77 = arith.constant 24 : i32
    %shift_left3A_78 = vector.broadcast %shift_left3A_77 : i32 to vector<4x128x128xi32>
    %shift_left3A_79 = arith.shli %squeeze3A_76, %shift_left3A_78 : vector<4x128x128xi32>
    %or3A_80 = arith.ori %or3A_74, %shift_left3A_79 : vector<4x128x128xi32>
    %swap3A_81 = arith.constant 0 : index
    %swap3A_82 = arith.constant 0 : index
    %swap3A_83 = arith.constant 0 : index
    %swap3A_84 = arith.constant 0 : index
    %swap3A_85 = vector.load %arg6[%swap3A_81, %swap3A_82, %swap3A_83, %swap3A_84] : memref<1x4x128x128xi32, #tpu.memory_space<vmem>>, vector<1x4x128x128xi32>
    %swap3A_86 = vector.shape_cast %swap3A_85 : vector<1x4x128x128xi32> to vector<4x128x128xi32>
    %swap3A_87 = vector.shape_cast %or3A_80 : vector<4x128x128xi32> to vector<1x4x128x128xi32>
    tpu.vector_store %arg6[%swap3A_81, %swap3A_82, %swap3A_83, %swap3A_84], %swap3A_87 {strides = array<i32>} : memref<1x4x128x128xi32, #tpu.memory_space<vmem>>, vector<1x4x128x128xi32>,
    return
  }
  func.func @transform_0(%arg0: i32, %arg1: i32, %arg2: memref<8x6xi32, #tpu.memory_space<smem>>) -> (i32, i32, i32, i32) {
    %c0_i32 = arith.constant 0 : i32
    %c0_i32_0 = arith.constant 0 : i32
    %c0_i32_1 = arith.constant 0 : i32
    return %arg0, %arg1, %c0_i32, %c0_i32_0 : i32, i32, i32, i32
  }
  func.func @transform_1(%arg0: i32, %arg1: i32, %arg2: memref<8x6xi32, #tpu.memory_space<smem>>) -> (i32, i32, i32, i32) {
    %jit3A = arith.constant 4 : i32
    %div3A = arith.divsi %arg0, %jit3A : i32
    %sign3A = arith.constant 0 : i32
    %sign3A_0 = arith.cmpi sgt, %arg0, %sign3A : i32
    %sign3A_1 = arith.extui %sign3A_0 : i1 to i32
    %sign3A_2 = arith.constant 0 : i32
    %sign3A_3 = arith.cmpi slt, %arg0, %sign3A_2 : i32
    %sign3A_4 = arith.extui %sign3A_3 : i1 to i32
    %sign3A_5 = arith.subi %sign3A_1, %sign3A_4 : i32
    %sign3A_6 = arith.constant 0 : i32
    %sign3A_7 = arith.cmpi sgt, %jit3A, %sign3A_6 : i32
    %sign3A_8 = arith.extui %sign3A_7 : i1 to i32
    %sign3A_9 = arith.constant 0 : i32
    %sign3A_10 = arith.cmpi slt, %jit3A, %sign3A_9 : i32
    %sign3A_11 = arith.extui %sign3A_10 : i1 to i32
    %sign3A_12 = arith.subi %sign3A_8, %sign3A_11 : i32
    %ne3A = arith.cmpi ne, %sign3A_5, %sign3A_12 : i32
    %rem3A = arith.remsi %arg0, %jit3A : i32
    %ne3A_13 = arith.constant 0 : i32
    %ne3A_14 = arith.cmpi ne, %rem3A, %ne3A_13 : i32
    %and3A = arith.andi %ne3A, %ne3A_14 : i1
    %sub3A = arith.constant 1 : i32
    %sub3A_15 = arith.subi %div3A, %sub3A : i32
    %select_n3A = arith.select %and3A, %sub3A_15, %div3A : i32
    %c0_i32 = arith.constant 0 : i32
    %c0_i32_16 = arith.constant 0 : i32
    %c0_i32_17 = arith.constant 0 : i32
    return %select_n3A, %arg1, %c0_i32, %c0_i32_16 : i32, i32, i32, i32
  }
  func.func @transform_2(%arg0: i32, %arg1: i32, %arg2: memref<8x6xi32, #tpu.memory_space<smem>>) -> (i32, i32, i32, i32) {
    %c0_i32 = arith.constant 0 : i32
    %c0_i32_0 = arith.constant 0 : i32
    %c0_i32_1 = arith.constant 0 : i32
    return %arg0, %arg1, %c0_i32, %c0_i32_0 : i32, i32, i32, i32
  }
  func.func @transform_3(%arg0: i32, %arg1: i32, %arg2: memref<8x6xi32, #tpu.memory_space<smem>>) -> (i32, i32, i32, i32) {
    %c0_i32 = arith.constant 0 : i32
    %c0_i32_0 = arith.constant 0 : i32
    %c0_i32_1 = arith.constant 0 : i32
    return %arg0, %arg1, %c0_i32, %c0_i32_0 : i32, i32, i32, i32
  }
}

</mosaic_0001>

<sc_bundles>
// kernel: kernel.5.cloned.1.call-start
scs
__scs_entry_jumppad:
0x0: {  	(pc) =	sbr.rel $0x88, $3  }
0x1: {  	(tag) =	ssettag $0x0;
	lr =	simm.s32 $0x1  }
0x2: {  	[smem:$0x3F9E] =	sst lr;
	_ =	strace $0xD0000000  }
0x3: {  	_ = 	snop  }
0x4: {  	_ = 	snop  }
0x5: {  	_ = 	snop  }
0x6: {  	_ = 	snop  }
0x7: {  	_ = 	snop  }
__scs_overlays_trampoline_lowered:
0x8: {  	[smem:$0x3FAD] =	sst s0  }
0x9: {  	[smem:$0x3FAE] =	sst s1  }
0xa: {  	[smem:$0x3FAF] =	sst s2  }
0xb: {  	[smem:$0x3FB0] =	sst s3  }
0xc: {  	[smem:$0x3FB1] =	sst s4  }
0xd: {  	[smem:$0x3FB2] =	sst s5  }
0xe: {  	[smem:$0x3FB3] =	sst s6  }
0xf: {  	[smem:$0x3FB4] =	sst s7  }
0x10: {  	[smem:$0x3FB5] =	sst s8  }
0x11: {  	[smem:$0x3FB6] =	sst s9;
	s0 =	simm.s32 @!p0 $0x0  }
0x12: {  	s1 =	sld [smem:$0x3F9C];
	s0 =	simm.s32 @p0 $0x1  }
0x13: {  	[smem:$0x3FB7] =	sst s0;
	s0 =	simm.s32 @!p1 $0x0  }
0x14: {  	s2 =	sld [smem:$0x3F9B];
	s0 =	simm.s32 @p1 $0x1  }
0x15: {  	[smem:$0x3FB8] =	sst s0;
	s0 =	simm.s32 @!p2 $0x0  }
0x16: {  	s3 =	sld [smem:$0x3FDB];
	s0 =	simm.s32 @p2 $0x1  }
0x17: {  	s4 =	simm.s32 $0x1BF5;
	[smem:$0x3FBA] =	sst s0  }
0x18: {  	s0 =	sld [smem:$0x3F9D];
	_ =	swait.ge [sflag:s4], $0x0  }
0x19: {  	s7 =	sld [smem:$0x3F9E]  }
0x1a: {  	s8 =	sadd.s32 $0xFFFFE003, lr  }
0x1b: {  	s9 =	sadd.s32 $0xFFFFFEF7, lr;
	s5 =	simm.s32 $0xFFFFFFFF;
	p2 =	slt.u32 s8, $0xFFFFF086  }
0x1c: {  	p1 =	slt.u32 s9, $0xF7A;
	s5 =	simm.s32 @!p2 $0x0  }
0x1d: {  	s5 =	simm.s32 @p1 $0x1;
	p0 =	seq.s32 s7, s2  }
0x1e: {  	s7 =	smul.u32 @!p0 $0xF7A, s2;
	p2 =	seq.s32 @!p0 s5, $0x0  }
0x1f: {  	s9 =	smul.u32 $0xF7A, s1;
	s8 =	simm.s32 @!p0 $0x1BF5;
	p2 =	por !p2, p0  }
0x20: {  	[sflag:s8] =	ssyncset.s32 @!p0 $0xFFFFF086;
	s6 =	sadd.s32 @!p0 s3, s7;
	s7 =	simm.s32 @!p0 $0x108  }
0x21: {  	s3 =	sadd.s32 s3, s9;
	s6 =	sadd.s32 @!p0 $0x88, s6;
	s7 =	simm.s32 @p2 $0x1082  }
0x22: {  	[simem:s7], [sflag:s8] =	dma.local @!p0 [hbm:s6], $0xF7A  }
0x23: {  	s9 =	sor.u32 $0xD0000000, s2;
	s6 =	simm.s32 $0x108;
	_ =	swait.ge @!p0 [sflag:s8], $0x0  }
0x24: {  	s3 =	sadd.s32 $0x88, s3;
	s6 =	simm.s32 @!p1 $0x1082;
	[sflag:s4] =	ssyncset.s32 $0xFFFFF086  }
0x25: {  	[simem:s6], [sflag:s4] =	dma.local [hbm:s3], $0xF7A  }
0x26: {  	[smem:$0x3F9E] =	sst s1;
	(tag) =	ssettag s2;
	_ =	strace s9  }
0x27: {  	s1 =	sld [smem:$0x3FAE]  }
0x28: {  	s2 =	sld [smem:$0x3FAF]  }
0x29: {  	s4 =	sld [smem:$0x3FB1]  }
0x2a: {  	p0 =	seq.s32 s5, $0x0;
	s5 =	sld [smem:$0x3FB2]  }
0x2b: {  	s6 =	sld [smem:$0x3FB3]  }
0x2c: {  	s7 =	sld [smem:$0x3FB4]  }
0x2d: {  	s3 =	simm.s32 $0x108;
	s8 =	sld [smem:$0x3FB5]  }
0x2e: {  	s3 =	simm.s32 @!p0 $0x1082;
	s9 =	sld [smem:$0x3FB6]  }
0x2f: {  	lr =	sadd.s32 s0, s3;
	s0 =	sld [smem:$0x3FAD]  }
0x30: {  	s3 =	sld [smem:$0x3FB0]  }
0x31: {  	[smem:$0x3FB9] =	sst s10  }
0x32: {  	s10 =	sld [smem:$0x3FB7];
	_ =	sdelay $0x3  }
0x33: {  	p0 =	seq.s32 s10, $0x1;
	s10 =	sld [smem:$0x3FB9];
	_ =	sdelay $0x3  }
0x34: {  	[smem:$0x3FB9] =	sst s10  }
0x35: {  	s10 =	sld [smem:$0x3FB8];
	_ =	sdelay $0x3  }
0x36: {  	p1 =	seq.s32 s10, $0x1;
	s10 =	sld [smem:$0x3FB9];
	_ =	sdelay $0x3  }
0x37: {  	[smem:$0x3FB9] =	sst s10  }
0x38: {  	s10 =	sld [smem:$0x3FBA]  }
0x39: {  	_ = 	snop;
	(pc) =	sbr.ind lr, $3  }
0x3a: {  	_ = 	snop  }
0x3b: {  	_ = 	snop  }
0x3c: {  	p2 =	seq.s32 s10, $0x1;
	s10 =	sld [smem:$0x3FB9]  }
0x3d: {  	_ =	shalt  }
0x3e: {  	_ =	shalt  }
0x3f: {  	_ =	shalt  }
0x40: {  	_ =	shalt  }
0x41: {  	_ =	shalt  }
0x42: {  	_ =	shalt  }
0x43: {  	_ =	shalt  }
0x44: {  	_ =	shalt  }
0x45: {  	_ =	shalt  }
0x46: {  	_ =	shalt  }
0x47: {  	_ =	shalt  }
0x48: {  	_ =	shalt  }
0x49: {  	_ =	shalt  }
0x4a: {  	_ =	shalt  }
0x4b: {  	_ =	shalt  }
0x4c: {  	_ =	shalt  }
0x4d: {  	_ =	shalt  }
0x4e: {  	_ =	shalt  }
0x4f: {  	_ =	shalt  }
0x50: {  	_ =	shalt  }
0x51: {  	_ =	shalt  }
0x52: {  	_ =	shalt  }
0x53: {  	_ =	shalt  }
0x54: {  	_ =	shalt  }
0x55: {  	_ =	shalt  }
0x56: {  	_ =	shalt  }
0x57: {  	_ =	shalt  }
0x58: {  	_ =	shalt  }
0x59: {  	_ =	shalt  }
0x5a: {  	_ =	shalt  }
0x5b: {  	_ =	shalt  }
0x5c: {  	_ =	shalt  }
0x5d: {  	_ =	shalt  }
0x5e: {  	_ =	shalt  }
0x5f: {  	_ =	shalt  }
0x60: {  	_ =	shalt  }
0x61: {  	_ =	shalt  }
0x62: {  	_ =	shalt  }
0x63: {  	_ =	shalt  }
0x64: {  	_ =	shalt  }
0x65: {  	_ =	shalt  }
0x66: {  	_ =	shalt  }
0x67: {  	_ =	shalt  }
0x68: {  	_ =	shalt  }
0x69: {  	_ =	shalt  }
0x6a: {  	_ =	shalt  }
0x6b: {  	_ =	shalt  }
0x6c: {  	_ =	shalt  }
0x6d: {  	_ =	shalt  }
0x6e: {  	_ =	shalt  }
0x6f: {  	_ =	shalt  }
0x70: {  	_ =	shalt  }
0x71: {  	_ =	shalt  }
0x72: {  	_ =	shalt  }
0x73: {  	_ =	shalt  }
0x74: {  	_ =	shalt  }
0x75: {  	_ =	shalt  }
0x76: {  	_ =	shalt  }
0x77: {  	_ =	shalt  }
0x78: {  	_ =	shalt  }
0x79: {  	_ =	shalt  }
0x7a: {  	_ =	shalt  }
0x7b: {  	_ =	shalt  }
0x7c: {  	_ =	shalt  }
0x7d: {  	_ =	shalt  }
0x7e: {  	_ =	shalt  }
0x7f: {  	_ =	shalt  }
0x80: {  	_ =	shalt  }
0x81: {  	_ =	shalt  }
0x82: {  	_ =	shalt  }
0x83: {  	_ =	shalt  }
0x84: {  	_ =	shalt  }
0x85: {  	_ =	shalt  }
0x86: {  	_ =	shalt  }
0x87: {  	_ =	shalt  }
.Lfunc_end0:
.L_simem_size_0:
called_computation_lowered:
.L_overlay_start_0:
0x88: {  	s2 =	sld [smem:$0x3FD9]  }
0x89: {  	s3 =	sld [smem:$0x3FFE];
	_ =	sdelay $0x1  }
0x8a: {  	s1 =	srdreg.scid  }
0x8b: {  	s0 =	sand.u32 $0x1, s1  }
0x8c: {  	s16 =	sshll.u32 s0, $0xA;
	s2 =	sadd.s32 s3, s2  }
0x8d: {  	s2 =	sadd.s32 s2, s16  }
0x8e: {  	[smem:$0x3FC5] =	sst s2  }
0x8f: {  	_ = 	snop  }
0x90: {  	(tm) =	ssettm $0x1  }
0x91: {  	s17 =	sld [smem:$0x3FFB];
	_ =	sdelay $0x3  }
0x92: {  	_ =	strace s17  }
0x93: {  	s2 =	sld [smem:$0x3FFC];
	_ =	sdelay $0x3  }
0x94: {  	_ =	strace s2  }
0x95: {  	s2 =	sld [smem:$0x3FFD];
	_ =	sdelay $0x3  }
0x96: {  	_ =	strace s2  }
0x97: {  	_ =	strace $0x8FFFFFFF  }
0x98: {  	s18 =	sld [smem:$0x3FDB];
	_ =	sdelay $0x1  }
0x99: {  	s19 =	simm.s32 $_scs_section_size  }
0x9a: {  	s4 =	simm.s32 $_size__tile_overlayer_lowered;
	s5 =	simm.s32 $_tile_overlayer_lowered  }
0x9b: {  	s22 =	simm.s32 $0x1BFF;
	s21 =	sshll.u32 s5, $0x1;
	s2 =	sadd.s32 s19, s18  }
0x9c: {  	s6 =	simm.s32 $0x0;
	s20 =	sshll.u32 s4, $0x1;
	s4 =	sadd.s32 s21, s2  }
0x9d: {  	[timem:s6], [sflag:s22] =	dma.local [hbm:s4], s20  }
0x9e: {  	_ =	swait.ge [sflag:s22], s20  }
0x9f: {  	s3 =	ssub.s32 $0x0, s20;
	[sflag:s22] =	ssyncset.done $0x0  }
0xa0: {  	[sflag:s22] =	ssyncadd.s32 s3;
	_ =	sdelay $0x1  }
0xa1: {  	s23 =	simm.s32 $0x1B8B  }
0xa2: {  	_ =	swait.ge [sflag:s23], $0x1  }
0xa3: {  	[sflag:s23] =	ssyncset.done $0x0  }
0xa4: {  	s25 =	simm.s32 $0x1B8E;
	s24 =	sld [smem:$0x3FFE];
	[sflag:s23] =	ssyncadd.s32 $0xFFFFFFFF  }
0xa5: {  	s26 =	simm.s32 $execute0_lowered;
	[smem:$0x3FD2] =	sst s25  }
0xa6: {  	s4 =	sshll.u32 s26, $0x1;
	_ =	strace $0x80000046;
	[dreg:$0x1] =	wrdreg $0xFFFFFFFF  }
0xa7: {  	s28 =	simm.s32 $_size_execute0_lowered;
	s2 =	sadd.s32 s2, s4;
	[dreg:$0x0] =	wrdreg $0x0  }
0xa8: {  	s4 =	sshll.u32 s28, $0x1;
	[dreg:$0x2] =	wrdreg s2  }
0xa9: {  	[dreg:$0x3] =	wrdreg s4  }
0xaa: {  	[dreg:$0x4] =	wrdreg $0xC0  }
0xab: {  	_ =	task [dreg:s6], $0x5FFFF  }
0xac: {  	[dreg:$0x1] =	wrdreg $0xFFFFFFFF  }
0xad: {  	[dreg:$0x0] =	wrdreg $0x60  }
0xae: {  	[dreg:$0x2] =	wrdreg s24  }
0xaf: {  	[dreg:$0x3] =	wrdreg $0x9  }
0xb0: {  	_ =	task.clear_ibuf [dreg:s6], $0x4FFFF;
	_ =	strace $0x90000046  }
0xb1: {  	s29 =	simm.s32 $0x9;
	_ =	strace $0x80000048  }
0xb2: {  	_ =	swait.ge [sflag:s29], $0x1  }
0xb3: {  	[sflag:s29] =	ssyncadd.s32 $0xFFFFFFFF  }
0xb4: {  	_ =	strace $0x90000048  }
0xb5: {  	_ =	sfence  }
0xb6: {  	s30 =	sld [smem:$0x0];
	_ =	sdelay $0x2  }
0xb7: {  	s31 =	sshll.u32 s1, $0xD;
	s1 =	sshrl.u32 s1, $0x2  }
0xb8: {  	s3 =	sand.u32 $0x4000, s31;
	s1 =	sadd.s32 s1, s30  }
0xb9: {  	s0 =	sor.u32 s3, s0;
	s1 =	sshll.u32 s1, $0x11  }
0xba: {  	s0 =	sor.u32 s1, s0  }
0xbb: {  	s0 =	sadd.s32 $0x8F2B, s0  }
0xbc: {  	[sflag:s0] =	ssyncadd.remote.s32 $0x1  }
0xbd: {  	_ =	sfence.sel $0xFFFF  }
0xbe: {  	[dreg:$0x0] =	wrdreg $0xFFFFFFFF;
	(pc) =	sbr.abs _section_cstart, $3  }
0xbf: {  	[dreg:$0x1] =	wrdreg $0xFFFFFFFF  }
0xc0: {  	_ =	task.clear_ibuf [dreg:s6], $0x2FFFF;
	_ =	strace $0x9FFFFFFF  }
0xc1: {  	(tm) =	ssettm $0x7FFFFFFF  }
tec
execute0_lowered:
.L_overlay_start_1:
0x0: {  	(tag) =	ssettag $0x1  }
0x1: {  	s1 =	srdreg.scid  }
0x2: {  	s0 =	stileid.u32;
	s4 =	rddreg [dreg:$0x0];
	s11 =	simm.s32 $0x1  }
0x3: {  	s12 =	simm.s32 $0x8000;
	s13 =	simm.s32 $0x2;
	s14 =	simm.s32 $0x3  }
0x4: {  	s15 =	simm.s32 $0x0;
	s5 =	sand.u32 $0x1, s1;
	s2 =	sshll.u32 s0, $0x1  }
0x5: {  	s1 =	rddreg [dreg:$0x1];
	s3 =	sshll.u32 s0, $0x12;
	s6 =	sor.u32 s5, s2  }
0x6: {  	s2 =	simm.s32 $0x0;
	s8 =	sand.u32 $0x380000, s3;
	s3 =	sadd.s32 $0x200000, s4  }
0x7: {  	s5 =	ssub.s32 $0x2, s5;
	s7 =	sshll.u32 s6, $0x11;
	[smem:$0x7FF] =	sst s2  }
0x8: {  	s6 =	sshll.u32 s6, $0x5;
	s31 =	sshrl.u32 s5, $0x1;
	s7 =	sand.u32 $0x60000, s7  }
0x9: {  	_ =	strace $0x80000047;
	s9 =	sadd.s32 s6, s4;
	s7 =	sor.u32 s8, s7  }
0xa: {  	s10 =	ssub.s32 s5, s31;
	s8 =	sshrl.u32 s7, $0x3;
	s6 =	sor.u32 $0x8000, s7  }
0xb: {  	v1 =	vlaneseq.u32;
	s7 =	sor.u32 $0xC000, s7;
	s4 =	sadd.s32 s3, s8;
	s8 =	sadd.s32 $0x280000, s9  }
0xc: {  	v0 =	vimm.f32 $0.0e+00;
	v2 =	vimm.f32 $1.000000000e+00;
	v1 =	vmul.u32 $0x101, v1;
	s9 =	smax.u32 s10, $0x1;
	s10 =	simm.s32 $0x4000;
	s5 =	sadd.s32 $0x800, s4  }
.LBB2_1:
0xd: {  	s16 =	simm.s32 $0x40;
	s17 =	simm.s32 $0x0  }
.LBB2_2:
0xe: {  	p0 =	sne.s32 s16, $0x4040;
	[tilespmem:s17+$0x8000] =	vst v0;
	s18 =	smov.u32 s16;
	s16 =	sadd.s32 $0x40, s16  }
.Ltmp0:
0xf: {  	[tilespmem:s17+$0x9080] =	vst v0;
	(pc) =	sbr.rel @p0 .LBB2_2-.Ltmp0, $2  }
0x10: {  	_ =	sdelay $0x2  }
0x11: {  	s17 =	sshra.s32 s18, $0x2  }
0x12: {  	[tilespmem:s17+$0x8000] =	vst v0  }
0x13: {  	[tilespmem:s17+$0x9080] =	vst v0;
	s16 =	simm.s32 $0x0  }
0x14: {  	[tilespmem:s16], [sflag:$0x1] =	stream.linear.gather [hbm4b:s4+s16], $0x4000, $0x38;
	[tilespmem:$0xA100] =	vst v63  }
0x15: {  	_ = 	snop  }
0x16: {  	[tilespmem:s10], [sflag:$0x2] =	stream.linear.gather [hbm4b:s5+s16], $0x4000, $0x38;
	[tilespmem:$0xA100] =	vst v63  }
.LBB2_4:
0x17: {  	_ =	swait.ge [sflag:s11], $0x4000  }
0x18: {  	[sflag:s11] =	ssyncset.done $0x0  }
0x19: {  	s17 =	simm.s32 $0x40;
	[sflag:s11] =	ssyncadd.s32 $0xFFFFC000  }
0x1a: {  	v3 =	vld [tilespmem:s17+$0xFFFFFFC0]  }
0x1b: {  	v14 =	vld [tilespmem:s17+$0xFFFFFFF0]  }
0x1c: {  	v11 =	vld [tilespmem:s17+$0x0]  }
0x1d: {  	v15 =	vld [tilespmem:s17+$0x30]  }
0x1e: {  	v16 =	vld [tilespmem:s17+$0x20]  }
0x1f: {  	v19 =	vld [tilespmem:s17+$0x10];
	_ =	sdelay $0x1  }
0x20: {  	v12 =	vld [tilespmem:s17+$0xFFFFFFE0]  }
0x21: {  	v4 =	vand.u32 $0xFF, v3;
	v5 =	vshrl.u32 v3, $0x8;
	v17 =	vshrl.u32 v3, $0x18  }
0x22: {  	v10 =	vld [tilespmem:s17+$0xFFFFFFD0];
	v6 =	vshrl.u32 v14, $0x18;
	v9 =	vshrl.u32 v11, $0x10;
	v18 =	vshrl.u32 v15, $0x10  }
0x23: {  	v22 =	vshrl.u32 v15, $0x18;
	v25 =	vshrl.u32 v19, $0x10;
	v24 =	vand.u32 $0xFF, v16  }
0x24: {  	v26 =	vshrl.u32 v16, $0x8;
	v29 =	vand.u32 $0xFF, v19;
	v30 =	vand.u32 $0xFF, v11  }
0x25: {  	v27 =	vshrl.u32 v14, $0x10;
	v31 =	vshrl.u32 v11, $0x8;
	v32 =	vshrl.u32 v12, $0x10  }
0x26: {  	v34 =	vand.u32 $0xFF, v12;
	v13 =	vadd.s32 v1, v4;
	v7 =	vand.u32 $0xFF, v5  }
0x27: {  	v4 =	vshrl.u32 v3, $0x10;
	v5 =	vshrl.u32 v10, $0x10;
	v3 =	vshrl.u32 v11, $0x18  }
0x28: {  	v18 =	vand.u32 $0xFF, v18;
	v23 =	vadd.s32 v1, v17;
	v28 =	vadd.s32 v1, v22  }
0x29: {  	v17 =	vand.u32 $0xFF, v15;
	v15 =	vshrl.u32 v15, $0x8;
	v63 =	vadd.s32 v1, v24  }
0x2a: {  	v24 =	vadd.s32 v1, v29;
	v29 =	vshrl.u32 v19, $0x18;
	v8 =	vand.u32 $0xFF, v4  }
0x2b: {  	v5 =	vand.u32 $0xFF, v5;
	v4 =	vshrl.u32 v10, $0x18;
	v20 =	vadd.s32 v1, v7  }
0x2c: {  	v7 =	vshrl.u32 v12, $0x18;
	v22 =	vadd.s32 v1, v18;
	v18 =	vshrl.u32 v19, $0x8  }
0x2d: {  	v15 =	vand.u32 $0xFF, v15;
	v33 =	vadd.s32 v1, v17;
	v12 =	vshrl.u32 v12, $0x8  }
0x2e: {  	v19 =	vand.u32 $0xFF, v25;
	v21 =	vadd.s32 v1, v8;
	v8 =	vand.u32 $0xFF, v9  }
0x2f: {  	v9 =	vshrl.u32 v16, $0x18;
	v16 =	vshrl.u32 v16, $0x10;
	v15 =	vadd.s32 v1, v15;
	[tilespmem:v13+s12+$0x0] =	vst.idx.add.f32.msk $0xffff, v2  }
0x30: {  	v25 =	vadd.s32 v1, v29;
	v18 =	vand.u32 $0xFF, v18;
	v16 =	vand.u32 $0xFF, v16;
	[tilespmem:v63+s12+$0x0] =	vst.idx.add.f32.msk $0xffff, v2  }
0x31: {  	v12 =	vand.u32 $0xFF, v12;
	v11 =	vadd.s32 v1, v18;
	v18 =	vadd.s32 v1, v16;
	[tilespmem:v20+s12+$0x0] =	vst.idx.add.f32.msk $0xffff, v2  }
0x32: {  	v16 =	vadd.s32 v1, v34;
	v13 =	vshrl.u32 v10, $0x8;
	v10 =	vand.u32 $0xFF, v10;
	[tilespmem:v33+s12+$0x0] =	vst.idx.add.f32.msk $0xffff, v2  }
0x33: {  	v17 =	vand.u32 $0xFF, v13;
	v13 =	vand.u32 $0xFF, v27;
	v20 =	vand.u32 $0xFF, v26;
	[tilespmem:v21+s12+$0x0] =	vst.idx.add.f32.msk $0xffff, v2  }
0x34: {  	v10 =	vadd.s32 v1, v10;
	v21 =	vand.u32 $0xFF, v32;
	v27 =	vadd.s32 v1, v20;
	[tilespmem:v15+s12+$0x0] =	vst.idx.add.f32.msk $0xffff, v2  }
0x35: {  	v20 =	vshrl.u32 v14, $0x8;
	v13 =	vadd.s32 v1, v13;
	v15 =	vand.u32 $0xFF, v14;
	[tilespmem:v23+s12+$0x0] =	vst.idx.add.f32.msk $0xffff, v2  }
0x36: {  	v23 =	vadd.s32 v1, v30;
	v14 =	vand.u32 $0xFF, v20;
	[tilespmem:v22+s12+$0x0] =	vst.idx.add.f32.msk $0xffff, v2;
	v26 =	vadd.s32 v1, v15  }
0x37: {  	s18 =	simm.s32 $0xC0;
	s17 =	simm.s32 $0x0;
	v22 =	vadd.s32 v1, v19;
	v19 =	vadd.s32 v1, v12;
	v20 =	vand.u32 $0xFF, v31;
	[tilespmem:v28+s12+$0x0] =	vst.idx.add.f32.msk $0xffff, v2  }
.LBB2_5:
0x38: {  	v12 =	vld [tilespmem:s18+$0x10];
	s17 =	sadd.s32 $0x8, s17  }
0x39: {  	v28 =	vld [tilespmem:s18+$0xFFFFFFC0];
	p0 =	slt.u32 s17, $0x3F8  }
0x3a: {  	v30 =	vadd.s32 v1, v14;
	v29 =	vld [tilespmem:s18+$0xFFFFFFD0]  }
0x3b: {  	v9 =	vadd.s32 v1, v9;
	v15 =	vld [tilespmem:s18+$0xFFFFFFE0]  }
0x3c: {  	v14 =	vld [tilespmem:s18+$0xFFFFFFF0]  }
0x3d: {  	v17 =	vadd.s32 v1, v17;
	v31 =	vld [tilespmem:s18+$0x0]  }
0x3e: {  	v21 =	vadd.s32 v1, v21;
	v32 =	vand.u32 $0xFF, v28;
	v33 =	vshrl.u32 v28, $0x8;
	[tilespmem:v27+s12+$0x0] =	vst.idx.add.f32.msk $0xffff, v2  }
0x3f: {  	v27 =	vadd.s32 v1, v32;
	v32 =	vand.u32 $0xFF, v33;
	v33 =	vshrl.u32 v28, $0x10;
	[tilespmem:v18+s12+$0x0] =	vst.idx.add.f32.msk $0xffff, v2  }
0x40: {  	v28 =	vshrl.u32 v28, $0x18;
	v18 =	vand.u32 $0xFF, v33;
	v33 =	vshrl.u32 v29, $0x10;
	[tilespmem:v9+s12+$0x0] =	vst.idx.add.f32.msk $0xffff, v2  }
0x41: {  	v34 =	vshrl.u32 v29, $0x18;
	v33 =	vand.u32 $0xFF, v33;
	v35 =	vshrl.u32 v14, $0x18;
	v36 =	vld [tilespmem:s18+$0x20]  }
0x42: {  	v32 =	vadd.s32 v1, v32;
	v9 =	vshrl.u32 v31, $0x10;
	v37 =	vshrl.u32 v31, $0x18;
	v38 =	vld [tilespmem:s18+$0x30]  }
0x43: {  	v39 =	vshrl.u32 v15, $0x18;
	v18 =	vadd.s32 v1, v18;
	v40 =	vand.u32 $0xFF, v9;
	[tilespmem:v23+s12+$0x0] =	vst.idx.add.f32.msk $0xffff, v2  }
0x44: {  	[tilespmem:v24+s12+$0x0] =	vst.idx.add.f32.msk $0xffff, v2  }
0x45: {  	[tilespmem:v26+s12+$0x0] =	vst.idx.add.f32.msk $0xffff, v2  }
0x46: {  	[tilespmem:v27+s12+$0x0] =	vst.idx.add.f32.msk $0xffff, v2;
	v9 =	vshrl.u32 v36, $0x18  }
0x47: {  	[tilespmem:v32+s12+$0x0] =	vst.idx.add.f32.msk $0xffff, v2;
	v23 =	vshrl.u32 v38, $0x10;
	v24 =	vshrl.u32 v38, $0x18  }
0x48: {  	[tilespmem:v18+s12+$0x0] =	vst.idx.add.f32.msk $0xffff, v2;
	v18 =	vand.u32 $0xFF, v23  }
0x49: {  	[tilespmem:v16+s12+$0x0] =	vst.idx.add.f32.msk $0xffff, v2  }
0x4a: {  	[tilespmem:v11+s12+$0x0] =	vst.idx.add.f32.msk $0xffff, v2  }
0x4b: {  	v11 =	vadd.s32 v1, v6;
	v6 =	vmov v35;
	[tilespmem:v22+s12+$0x0] =	vst.idx.add.f32.msk $0xffff, v2  }
0x4c: {  	[tilespmem:v25+s12+$0x0] =	vst.idx.add.f32.msk $0xffff, v2  }
0x4d: {  	v16 =	vadd.s32 v1, v4;
	v4 =	vmov v34;
	v22 =	vadd.s32 v1, v7;
	[tilespmem:v30+s12+$0x0] =	vst.idx.add.f32.msk $0xffff, v2  }
0x4e: {  	[tilespmem:v19+s12+$0x0] =	vst.idx.add.f32.msk $0xffff, v2;
	v19 =	vadd.s32 v1, v20;
	v20 =	vadd.s32 v1, v3;
	v3 =	vmov v37  }
0x4f: {  	v23 =	vadd.s32 v1, v5;
	v5 =	vmov v33;
	[tilespmem:v13+s12+$0x0] =	vst.idx.add.f32.msk $0xffff, v2;
	v13 =	vadd.s32 v1, v8  }
0x50: {  	v26 =	vshrl.u32 v12, $0x10;
	v25 =	vadd.s32 v1, v28;
	v28 =	vadd.s32 v1, v24;
	[tilespmem:v11+s12+$0x0] =	vst.idx.add.f32.msk $0xffff, v2  }
0x51: {  	v7 =	vmovc v39;
	v24 =	vand.u32 $0xFF, v38;
	v30 =	vadd.s32 v1, v18;
	v11 =	vshrl.u32 v38, $0x8;
	[tilespmem:v10+s12+$0x0] =	vst.idx.add.f32.msk $0xffff, v2  }
0x52: {  	v27 =	vshrl.u32 v36, $0x8;
	v18 =	vshrl.u32 v36, $0x10;
	v8 =	vmovc v40;
	v10 =	vand.u32 $0xFF, v36;
	[tilespmem:v21+s12+$0x0] =	vst.idx.add.f32.msk $0xffff, v2  }
0x53: {  	v32 =	vand.u32 $0xFF, v12;
	v11 =	vand.u32 $0xFF, v11;
	v21 =	vshrl.u32 v12, $0x8;
	[tilespmem:v19+s12+$0x0] =	vst.idx.add.f32.msk $0xffff, v2  }
0x54: {  	v33 =	vadd.s32 v1, v11;
	v19 =	vand.u32 $0xFF, v31;
	v21 =	vand.u32 $0xFF, v21;
	[tilespmem:v13+s12+$0x0] =	vst.idx.add.f32.msk $0xffff, v2  }
0x55: {  	v18 =	vand.u32 $0xFF, v18;
	v31 =	vshrl.u32 v31, $0x8;
	v13 =	vshrl.u32 v14, $0x10;
	[tilespmem:v17+s12+$0x0] =	vst.idx.add.f32.msk $0xffff, v2  }
0x56: {  	v34 =	vshrl.u32 v15, $0x10;
	v24 =	vadd.s32 v1, v24;
	v11 =	vadd.s32 v1, v21;
	[tilespmem:v23+s12+$0x0] =	vst.idx.add.f32.msk $0xffff, v2  }
0x57: {  	v18 =	vadd.s32 v1, v18;
	v17 =	vshrl.u32 v29, $0x8;
	v23 =	vand.u32 $0xFF, v15;
	[tilespmem:v16+s12+$0x0] =	vst.idx.add.f32.msk $0xffff, v2  }
0x58: {  	v27 =	vand.u32 $0xFF, v27;
	v13 =	vand.u32 $0xFF, v13;
	v17 =	vand.u32 $0xFF, v17;
	[tilespmem:v22+s12+$0x0] =	vst.idx.add.f32.msk $0xffff, v2  }
0x59: {  	v21 =	vand.u32 $0xFF, v34;
	v22 =	vand.u32 $0xFF, v29;
	v29 =	vadd.s32 v1, v10;
	[tilespmem:v20+s12+$0x0] =	vst.idx.add.f32.msk $0xffff, v2  }
0x5a: {  	v27 =	vadd.s32 v1, v27;
	v15 =	vshrl.u32 v15, $0x8;
	v16 =	vadd.s32 v1, v23;
	[tilespmem:v25+s12+$0x0] =	vst.idx.add.f32.msk $0xffff, v2  }
.Ltmp1:
0x5b: {  	v23 =	vadd.s32 v1, v19;
	v10 =	vadd.s32 v1, v22;
	v20 =	vshrl.u32 v14, $0x8;
	[tilespmem:v24+s12+$0x0] =	vst.idx.add.f32.msk $0xffff, v2;
	(pc) =	sbr.rel @p0 .LBB2_5-.Ltmp1, $4  }
0x5c: {  	v12 =	vshrl.u32 v12, $0x18;
	v13 =	vadd.s32 v1, v13;
	v24 =	vadd.s32 v1, v32;
	[tilespmem:v33+s12+$0x0] =	vst.idx.add.f32.msk $0xffff, v2  }
0x5d: {  	v19 =	vand.u32 $0xFF, v14;
	v14 =	vand.u32 $0xFF, v20;
	v20 =	vand.u32 $0xFF, v26;
	[tilespmem:v30+s12+$0x0] =	vst.idx.add.f32.msk $0xffff, v2  }
0x5e: {  	v15 =	vand.u32 $0xFF, v15;
	v26 =	vadd.s32 v1, v19;
	v22 =	vadd.s32 v1, v20;
	[tilespmem:v28+s12+$0x0] =	vst.idx.add.f32.msk $0xffff, v2  }
0x5f: {  	s18 =	sadd.s32 $0x80, s18;
	v19 =	vadd.s32 v1, v15;
	v25 =	vadd.s32 v1, v12;
	v20 =	vand.u32 $0xFF, v31;
	[tilespmem:v29+s12+$0x0] =	vst.idx.add.f32.msk $0xffff, v2  }
0x60: {  	_ =	sdelay $0x3  }
0x61: {  	[tilespmem:v27+s12+$0x0] =	vst.idx.add.f32.msk $0xffff, v2  }
0x62: {  	[tilespmem:v23+s12+$0x0] =	vst.idx.add.f32.msk $0xffff, v2  }
0x63: {  	[tilespmem:v24+s12+$0x0] =	vst.idx.add.f32.msk $0xffff, v2  }
0x64: {  	[tilespmem:v26+s12+$0x0] =	vst.idx.add.f32.msk $0xffff, v2  }
0x65: {  	v9 =	vadd.s32 v1, v9;
	[tilespmem:v16+s12+$0x0] =	vst.idx.add.f32.msk $0xffff, v2  }
0x66: {  	[tilespmem:v10+s12+$0x0] =	vst.idx.add.f32.msk $0xffff, v2  }
0x67: {  	[tilespmem:v18+s12+$0x0] =	vst.idx.add.f32.msk $0xffff, v2  }
0x68: {  	v12 =	vadd.s32 v1, v17;
	[tilespmem:v11+s12+$0x0] =	vst.idx.add.f32.msk $0xffff, v2  }
0x69: {  	v11 =	vadd.s32 v1, v21;
	[tilespmem:v19+s12+$0x0] =	vst.idx.add.f32.msk $0xffff, v2  }
0x6a: {  	[tilespmem:v9+s12+$0x0] =	vst.idx.add.f32.msk $0xffff, v2;
	v9 =	vadd.s32 v1, v14  }
0x6b: {  	[tilespmem:v22+s12+$0x0] =	vst.idx.add.f32.msk $0xffff, v2  }
0x6c: {  	v6 =	vadd.s32 v1, v6;
	[tilespmem:v25+s12+$0x0] =	vst.idx.add.f32.msk $0xffff, v2  }
0x6d: {  	v5 =	vadd.s32 v1, v5;
	[tilespmem:v12+s12+$0x0] =	vst.idx.add.f32.msk $0xffff, v2  }
0x6e: {  	v4 =	vadd.s32 v1, v4;
	[tilespmem:v11+s12+$0x0] =	vst.idx.add.f32.msk $0xffff, v2  }
0x6f: {  	[tilespmem:v9+s12+$0x0] =	vst.idx.add.f32.msk $0xffff, v2;
	v9 =	vadd.s32 v1, v20  }
0x70: {  	v8 =	vadd.s32 v1, v8;
	[tilespmem:v13+s12+$0x0] =	vst.idx.add.f32.msk $0xffff, v2  }
0x71: {  	[tilespmem:v6+s12+$0x0] =	vst.idx.add.f32.msk $0xffff, v2;
	v6 =	vadd.s32 v1, v7  }
0x72: {  	v3 =	vadd.s32 v1, v3;
	[tilespmem:v5+s12+$0x0] =	vst.idx.add.f32.msk $0xffff, v2  }
0x73: {  	[tilespmem:v4+s12+$0x0] =	vst.idx.add.f32.msk $0xffff, v2  }
0x74: {  	s17 =	sshll.u32 s16, $0xF;
	p0 =	seq.s32 s16, $0x3;
	[tilespmem:v9+s12+$0x0] =	vst.idx.add.f32.msk $0xffff, v2  }
0x75: {  	s18 =	sadd.s32 @!p0 s17, s6;
	[tilespmem:v8+s12+$0x0] =	vst.idx.add.f32.msk $0xffff, v2  }
0x76: {  	s18 =	sshrl.u32 @!p0 s18, $0x3;
	[tilespmem:v6+s12+$0x0] =	vst.idx.add.f32.msk $0xffff, v2  }
0x77: {  	s19 =	simm.s32 @!p0 $0x0;
	s18 =	sadd.s32 @!p0 s3, s18;
	[tilespmem:v3+s12+$0x0] =	vst.idx.add.f32.msk $0xffff, v2  }
0x78: {  	[tilespmem:s19], [sflag:$0x1] =	stream.linear.gather @!p0 [hbm4b:s18+s19], $0x4000, $0x38;
	[tilespmem:$0xA100] =	vst v63  }
0x79: {  	_ =	swait.ge [sflag:s13], $0x4000  }
0x7a: {  	[sflag:s13] =	ssyncset.done $0x0  }
0x7b: {  	s31 =	simm.s32 $0x4040;
	[sflag:s13] =	ssyncadd.s32 $0xFFFFC000  }
0x7c: {  	v3 =	vld [tilespmem:s31+$0xFFFFFFC0]  }
0x7d: {  	v14 =	vld [tilespmem:s31+$0xFFFFFFF0]  }
0x7e: {  	v11 =	vld [tilespmem:s31+$0x0]  }
0x7f: {  	v15 =	vld [tilespmem:s31+$0x30]  }
0x80: {  	v16 =	vld [tilespmem:s31+$0x20]  }
0x81: {  	v19 =	vld [tilespmem:s31+$0x10];
	_ =	sdelay $0x1  }
0x82: {  	v12 =	vld [tilespmem:s31+$0xFFFFFFE0]  }
0x83: {  	v4 =	vand.u32 $0xFF, v3;
	v5 =	vshrl.u32 v3, $0x8;
	v17 =	vshrl.u32 v3, $0x18  }
0x84: {  	v10 =	vld [tilespmem:s31+$0xFFFFFFD0];
	v6 =	vshrl.u32 v14, $0x18;
	v9 =	vshrl.u32 v11, $0x10;
	v18 =	vshrl.u32 v15, $0x10  }
0x85: {  	v22 =	vshrl.u32 v15, $0x18;
	v25 =	vshrl.u32 v19, $0x10;
	v24 =	vand.u32 $0xFF, v16  }
0x86: {  	v26 =	vshrl.u32 v16, $0x8;
	v29 =	vand.u32 $0xFF, v19;
	v30 =	vand.u32 $0xFF, v11  }
0x87: {  	v27 =	vshrl.u32 v14, $0x10;
	v31 =	vshrl.u32 v11, $0x8;
	v32 =	vshrl.u32 v12, $0x10  }
0x88: {  	v34 =	vand.u32 $0xFF, v12;
	v13 =	vadd.s32 v1, v4;
	v7 =	vand.u32 $0xFF, v5  }
0x89: {  	v4 =	vshrl.u32 v3, $0x10;
	v5 =	vshrl.u32 v10, $0x10;
	v3 =	vshrl.u32 v11, $0x18  }
0x8a: {  	v18 =	vand.u32 $0xFF, v18;
	v23 =	vadd.s32 v1, v17;
	v28 =	vadd.s32 v1, v22  }
0x8b: {  	v17 =	vand.u32 $0xFF, v15;
	v15 =	vshrl.u32 v15, $0x8;
	v63 =	vadd.s32 v1, v24  }
0x8c: {  	v24 =	vadd.s32 v1, v29;
	v29 =	vshrl.u32 v19, $0x18;
	v8 =	vand.u32 $0xFF, v4  }
0x8d: {  	v5 =	vand.u32 $0xFF, v5;
	v4 =	vshrl.u32 v10, $0x18;
	v20 =	vadd.s32 v1, v7  }
0x8e: {  	v7 =	vshrl.u32 v12, $0x18;
	v22 =	vadd.s32 v1, v18;
	v18 =	vshrl.u32 v19, $0x8  }
0x8f: {  	v15 =	vand.u32 $0xFF, v15;
	v33 =	vadd.s32 v1, v17;
	v12 =	vshrl.u32 v12, $0x8  }
0x90: {  	v19 =	vand.u32 $0xFF, v25;
	v21 =	vadd.s32 v1, v8;
	v8 =	vand.u32 $0xFF, v9  }
0x91: {  	v9 =	vshrl.u32 v16, $0x18;
	v16 =	vshrl.u32 v16, $0x10;
	v15 =	vadd.s32 v1, v15;
	[tilespmem:v13+s12+$0x0] =	vst.idx.add.f32.msk $0xffff, v2  }
0x92: {  	v25 =	vadd.s32 v1, v29;
	v18 =	vand.u32 $0xFF, v18;
	v16 =	vand.u32 $0xFF, v16;
	[tilespmem:v63+s12+$0x0] =	vst.idx.add.f32.msk $0xffff, v2  }
0x93: {  	v12 =	vand.u32 $0xFF, v12;
	v11 =	vadd.s32 v1, v18;
	v18 =	vadd.s32 v1, v16;
	[tilespmem:v20+s12+$0x0] =	vst.idx.add.f32.msk $0xffff, v2  }
0x94: {  	v16 =	vadd.s32 v1, v34;
	v13 =	vshrl.u32 v10, $0x8;
	v10 =	vand.u32 $0xFF, v10;
	[tilespmem:v33+s12+$0x0] =	vst.idx.add.f32.msk $0xffff, v2  }
0x95: {  	v17 =	vand.u32 $0xFF, v13;
	v13 =	vand.u32 $0xFF, v27;
	v20 =	vand.u32 $0xFF, v26;
	[tilespmem:v21+s12+$0x0] =	vst.idx.add.f32.msk $0xffff, v2  }
0x96: {  	v10 =	vadd.s32 v1, v10;
	v21 =	vand.u32 $0xFF, v32;
	v27 =	vadd.s32 v1, v20;
	[tilespmem:v15+s12+$0x0] =	vst.idx.add.f32.msk $0xffff, v2  }
0x97: {  	v20 =	vshrl.u32 v14, $0x8;
	v13 =	vadd.s32 v1, v13;
	v15 =	vand.u32 $0xFF, v14;
	[tilespmem:v23+s12+$0x0] =	vst.idx.add.f32.msk $0xffff, v2  }
0x98: {  	v23 =	vadd.s32 v1, v30;
	v14 =	vand.u32 $0xFF, v20;
	[tilespmem:v22+s12+$0x0] =	vst.idx.add.f32.msk $0xffff, v2;
	v26 =	vadd.s32 v1, v15  }
0x99: {  	s18 =	simm.s32 $0x0;
	s19 =	simm.s32 $0x40C0;
	v22 =	vadd.s32 v1, v19;
	v19 =	vadd.s32 v1, v12;
	v20 =	vand.u32 $0xFF, v31;
	[tilespmem:v28+s12+$0x0] =	vst.idx.add.f32.msk $0xffff, v2  }
.LBB2_7:
0x9a: {  	v12 =	vld [tilespmem:s19+$0x10];
	s18 =	sadd.s32 $0x8, s18  }
0x9b: {  	v28 =	vld [tilespmem:s19+$0xFFFFFFC0];
	p1 =	slt.u32 s18, $0x3F8  }
0x9c: {  	v30 =	vadd.s32 v1, v14;
	v29 =	vld [tilespmem:s19+$0xFFFFFFD0]  }
0x9d: {  	v9 =	vadd.s32 v1, v9;
	v15 =	vld [tilespmem:s19+$0xFFFFFFE0]  }
0x9e: {  	v14 =	vld [tilespmem:s19+$0xFFFFFFF0]  }
0x9f: {  	v17 =	vadd.s32 v1, v17;
	v31 =	vld [tilespmem:s19+$0x0]  }
0xa0: {  	v21 =	vadd.s32 v1, v21;
	v32 =	vand.u32 $0xFF, v28;
	v33 =	vshrl.u32 v28, $0x8;
	[tilespmem:v27+s12+$0x0] =	vst.idx.add.f32.msk $0xffff, v2  }
0xa1: {  	v27 =	vadd.s32 v1, v32;
	v32 =	vand.u32 $0xFF, v33;
	v33 =	vshrl.u32 v28, $0x10;
	[tilespmem:v18+s12+$0x0] =	vst.idx.add.f32.msk $0xffff, v2  }
0xa2: {  	v28 =	vshrl.u32 v28, $0x18;
	v18 =	vand.u32 $0xFF, v33;
	v33 =	vshrl.u32 v29, $0x10;
	[tilespmem:v9+s12+$0x0] =	vst.idx.add.f32.msk $0xffff, v2  }
0xa3: {  	v34 =	vshrl.u32 v29, $0x18;
	v33 =	vand.u32 $0xFF, v33;
	v35 =	vshrl.u32 v14, $0x18;
	v36 =	vld [tilespmem:s19+$0x20]  }
0xa4: {  	v32 =	vadd.s32 v1, v32;
	v9 =	vshrl.u32 v31, $0x10;
	v37 =	vshrl.u32 v31, $0x18;
	v38 =	vld [tilespmem:s19+$0x30]  }
0xa5: {  	v39 =	vshrl.u32 v15, $0x18;
	v18 =	vadd.s32 v1, v18;
	v40 =	vand.u32 $0xFF, v9;
	[tilespmem:v23+s12+$0x0] =	vst.idx.add.f32.msk $0xffff, v2  }
0xa6: {  	[tilespmem:v24+s12+$0x0] =	vst.idx.add.f32.msk $0xffff, v2  }
0xa7: {  	[tilespmem:v26+s12+$0x0] =	vst.idx.add.f32.msk $0xffff, v2  }
0xa8: {  	[tilespmem:v27+s12+$0x0] =	vst.idx.add.f32.msk $0xffff, v2;
	v9 =	vshrl.u32 v36, $0x18  }
0xa9: {  	[tilespmem:v32+s12+$0x0] =	vst.idx.add.f32.msk $0xffff, v2;
	v23 =	vshrl.u32 v38, $0x10;
	v24 =	vshrl.u32 v38, $0x18  }
0xaa: {  	[tilespmem:v18+s12+$0x0] =	vst.idx.add.f32.msk $0xffff, v2;
	v18 =	vand.u32 $0xFF, v23  }
0xab: {  	[tilespmem:v16+s12+$0x0] =	vst.idx.add.f32.msk $0xffff, v2  }
0xac: {  	[tilespmem:v11+s12+$0x0] =	vst.idx.add.f32.msk $0xffff, v2  }
0xad: {  	v11 =	vadd.s32 v1, v6;
	v6 =	vmov v35;
	[tilespmem:v22+s12+$0x0] =	vst.idx.add.f32.msk $0xffff, v2  }
0xae: {  	[tilespmem:v25+s12+$0x0] =	vst.idx.add.f32.msk $0xffff, v2  }
0xaf: {  	v16 =	vadd.s32 v1, v4;
	v4 =	vmov v34;
	v22 =	vadd.s32 v1, v7;
	[tilespmem:v30+s12+$0x0] =	vst.idx.add.f32.msk $0xffff, v2  }
0xb0: {  	[tilespmem:v19+s12+$0x0] =	vst.idx.add.f32.msk $0xffff, v2;
	v19 =	vadd.s32 v1, v20;
	v20 =	vadd.s32 v1, v3;
	v3 =	vmov v37  }
0xb1: {  	v23 =	vadd.s32 v1, v5;
	v5 =	vmov v33;
	[tilespmem:v13+s12+$0x0] =	vst.idx.add.f32.msk $0xffff, v2;
	v13 =	vadd.s32 v1, v8  }
0xb2: {  	v26 =	vshrl.u32 v12, $0x10;
	v25 =	vadd.s32 v1, v28;
	v28 =	vadd.s32 v1, v24;
	[tilespmem:v11+s12+$0x0] =	vst.idx.add.f32.msk $0xffff, v2  }
0xb3: {  	v7 =	vmovc v39;
	v24 =	vand.u32 $0xFF, v38;
	v30 =	vadd.s32 v1, v18;
	v11 =	vshrl.u32 v38, $0x8;
	[tilespmem:v10+s12+$0x0] =	vst.idx.add.f32.msk $0xffff, v2  }
0xb4: {  	v27 =	vshrl.u32 v36, $0x8;
	v18 =	vshrl.u32 v36, $0x10;
	v8 =	vmovc v40;
	v10 =	vand.u32 $0xFF, v36;
	[tilespmem:v21+s12+$0x0] =	vst.idx.add.f32.msk $0xffff, v2  }
0xb5: {  	v32 =	vand.u32 $0xFF, v12;
	v11 =	vand.u32 $0xFF, v11;
	v21 =	vshrl.u32 v12, $0x8;
	[tilespmem:v19+s12+$0x0] =	vst.idx.add.f32.msk $0xffff, v2  }
0xb6: {  	v33 =	vadd.s32 v1, v11;
	v19 =	vand.u32 $0xFF, v31;
	v21 =	vand.u32 $0xFF, v21;
	[tilespmem:v13+s12+$0x0] =	vst.idx.add.f32.msk $0xffff, v2  }
0xb7: {  	v18 =	vand.u32 $0xFF, v18;
	v31 =	vshrl.u32 v31, $0x8;
	v13 =	vshrl.u32 v14, $0x10;
	[tilespmem:v17+s12+$0x0] =	vst.idx.add.f32.msk $0xffff, v2  }
0xb8: {  	v34 =	vshrl.u32 v15, $0x10;
	v24 =	vadd.s32 v1, v24;
	v11 =	vadd.s32 v1, v21;
	[tilespmem:v23+s12+$0x0] =	vst.idx.add.f32.msk $0xffff, v2  }
0xb9: {  	v18 =	vadd.s32 v1, v18;
	v17 =	vshrl.u32 v29, $0x8;
	v23 =	vand.u32 $0xFF, v15;
	[tilespmem:v16+s12+$0x0] =	vst.idx.add.f32.msk $0xffff, v2  }
0xba: {  	v27 =	vand.u32 $0xFF, v27;
	v13 =	vand.u32 $0xFF, v13;
	v17 =	vand.u32 $0xFF, v17;
	[tilespmem:v22+s12+$0x0] =	vst.idx.add.f32.msk $0xffff, v2  }
0xbb: {  	v21 =	vand.u32 $0xFF, v34;
	v22 =	vand.u32 $0xFF, v29;
	v29 =	vadd.s32 v1, v10;
	[tilespmem:v20+s12+$0x0] =	vst.idx.add.f32.msk $0xffff, v2  }
0xbc: {  	v27 =	vadd.s32 v1, v27;
	v15 =	vshrl.u32 v15, $0x8;
	v16 =	vadd.s32 v1, v23;
	[tilespmem:v25+s12+$0x0] =	vst.idx.add.f32.msk $0xffff, v2  }
.Ltmp2:
0xbd: {  	v23 =	vadd.s32 v1, v19;
	v10 =	vadd.s32 v1, v22;
	v20 =	vshrl.u32 v14, $0x8;
	[tilespmem:v24+s12+$0x0] =	vst.idx.add.f32.msk $0xffff, v2;
	(pc) =	sbr.rel @p1 .LBB2_7-.Ltmp2, $4  }
0xbe: {  	v12 =	vshrl.u32 v12, $0x18;
	v13 =	vadd.s32 v1, v13;
	v24 =	vadd.s32 v1, v32;
	[tilespmem:v33+s12+$0x0] =	vst.idx.add.f32.msk $0xffff, v2  }
0xbf: {  	v19 =	vand.u32 $0xFF, v14;
	v14 =	vand.u32 $0xFF, v20;
	v20 =	vand.u32 $0xFF, v26;
	[tilespmem:v30+s12+$0x0] =	vst.idx.add.f32.msk $0xffff, v2  }
0xc0: {  	v15 =	vand.u32 $0xFF, v15;
	v26 =	vadd.s32 v1, v19;
	v22 =	vadd.s32 v1, v20;
	[tilespmem:v28+s12+$0x0] =	vst.idx.add.f32.msk $0xffff, v2  }
0xc1: {  	s19 =	sadd.s32 $0x80, s19;
	v19 =	vadd.s32 v1, v15;
	v25 =	vadd.s32 v1, v12;
	v20 =	vand.u32 $0xFF, v31;
	[tilespmem:v29+s12+$0x0] =	vst.idx.add.f32.msk $0xffff, v2  }
0xc2: {  	_ =	sdelay $0x3  }
0xc3: {  	[tilespmem:v27+s12+$0x0] =	vst.idx.add.f32.msk $0xffff, v2  }
0xc4: {  	[tilespmem:v23+s12+$0x0] =	vst.idx.add.f32.msk $0xffff, v2  }
0xc5: {  	[tilespmem:v24+s12+$0x0] =	vst.idx.add.f32.msk $0xffff, v2  }
0xc6: {  	[tilespmem:v26+s12+$0x0] =	vst.idx.add.f32.msk $0xffff, v2  }
0xc7: {  	[tilespmem:v16+s12+$0x0] =	vst.idx.add.f32.msk $0xffff, v2  }
0xc8: {  	[tilespmem:v10+s12+$0x0] =	vst.idx.add.f32.msk $0xffff, v2  }
0xc9: {  	v9 =	vadd.s32 v1, v9;
	[tilespmem:v18+s12+$0x0] =	vst.idx.add.f32.msk $0xffff, v2  }
0xca: {  	v60 =	vadd.s32 v1, v14;
	[tilespmem:v11+s12+$0x0] =	vst.idx.add.f32.msk $0xffff, v2  }
0xcb: {  	v61 =	vadd.s32 v1, v21;
	[tilespmem:v19+s12+$0x0] =	vst.idx.add.f32.msk $0xffff, v2  }
0xcc: {  	v62 =	vadd.s32 v1, v20;
	[tilespmem:v22+s12+$0x0] =	vst.idx.add.f32.msk $0xffff, v2  }
0xcd: {  	v12 =	vadd.s32 v1, v17;
	[tilespmem:v25+s12+$0x0] =	vst.idx.add.f32.msk $0xffff, v2  }
0xce: {  	[tilespmem:v9+s12+$0x0] =	vst.idx.add.f32.msk $0xffff, v2  }
0xcf: {  	v8 =	vadd.s32 v1, v8;
	[tilespmem:v60+s12+$0x0] =	vst.idx.add.f32.msk $0xffff, v2  }
0xd0: {  	v5 =	vadd.s32 v1, v5;
	[tilespmem:v61+s12+$0x0] =	vst.idx.add.f32.msk $0xffff, v2  }
0xd1: {  	v63 =	vadd.s32 v1, v7;
	[tilespmem:v62+s12+$0x0] =	vst.idx.add.f32.msk $0xffff, v2  }
0xd2: {  	v6 =	vadd.s32 v1, v6;
	[tilespmem:v12+s12+$0x0] =	vst.idx.add.f32.msk $0xffff, v2  }
0xd3: {  	v4 =	vadd.s32 v1, v4;
	[tilespmem:v13+s12+$0x0] =	vst.idx.add.f32.msk $0xffff, v2  }
0xd4: {  	v3 =	vadd.s32 v1, v3;
	[tilespmem:v8+s12+$0x0] =	vst.idx.add.f32.msk $0xffff, v2  }
.Ltmp3:
0xd5: {  	[tilespmem:v5+s12+$0x0] =	vst.idx.add.f32.msk $0xffff, v2;
	(pc) =	sbr.rel @p0 .LBB2_10-.Ltmp3, $4  }
0xd6: {  	[tilespmem:v63+s12+$0x0] =	vst.idx.add.f32.msk $0xffff, v2  }
0xd7: {  	[tilespmem:v6+s12+$0x0] =	vst.idx.add.f32.msk $0xffff, v2  }
0xd8: {  	[tilespmem:v4+s12+$0x0] =	vst.idx.add.f32.msk $0xffff, v2  }
0xd9: {  	[tilespmem:v3+s12+$0x0] =	vst.idx.add.f32.msk $0xffff, v2  }
.Ltmp4:
0xda: {  	(pc) =	sbr.rel .LBB2_4-.Ltmp4, $4  }
0xdb: {  	s17 =	sadd.s32 s17, s7  }
0xdc: {  	s17 =	sshrl.u32 s17, $0x3  }
0xdd: {  	s16 =	sadd.s32 $0x1, s16;
	s17 =	sadd.s32 s3, s17  }
0xde: {  	[tilespmem:s10], [sflag:$0x2] =	stream.linear.gather [hbm4b:s17+s2], $0x4000, $0x38;
	[tilespmem:$0xA100] =	vst v63  }
.LBB2_10:
0xdf: {  	s16 =	simm.s32 $0x0;
	s17 =	simm.s32 $0x40  }
.LBB2_11:
0xe0: {  	p0 =	sne.s32 s17, $0x3C0;
	v3 =	vld [tilespmem:s16+$0x8000];
	_ =	sdelay $0x1  }
0xe1: {  	v4 =	vld [tilespmem:s16+$0x8101];
	_ =	sdelay $0x1  }
0xe2: {  	v5 =	vld [tilespmem:s16+$0x8202]  }
0xe3: {  	v3 =	vadd.f32 $0.0e+00, v3  }
0xe4: {  	v6 =	vld [tilespmem:s16+$0x8303]  }
0xe5: {  	v3 =	vadd.f32 v4, v3  }
0xe6: {  	v4 =	vld [tilespmem:s16+$0x8404]  }
0xe7: {  	v3 =	vadd.f32 v5, v3  }
0xe8: {  	v5 =	vld [tilespmem:s16+$0x8505]  }
0xe9: {  	v3 =	vadd.f32 v6, v3  }
0xea: {  	v6 =	vld [tilespmem:s16+$0x8606]  }
0xeb: {  	v3 =	vadd.f32 v4, v3  }
0xec: {  	v4 =	vld [tilespmem:s16+$0x8707]  }
0xed: {  	v3 =	vadd.f32 v5, v3  }
0xee: {  	v5 =	vld [tilespmem:s16+$0x8808]  }
0xef: {  	v3 =	vadd.f32 v6, v3  }
0xf0: {  	v6 =	vld [tilespmem:s16+$0x8909]  }
0xf1: {  	v3 =	vadd.f32 v4, v3  }
0xf2: {  	v4 =	vld [tilespmem:s16+$0x8A0A]  }
0xf3: {  	v3 =	vadd.f32 v5, v3  }
0xf4: {  	v5 =	vld [tilespmem:s16+$0x8B0B]  }
0xf5: {  	v3 =	vadd.f32 v6, v3  }
0xf6: {  	v6 =	vld [tilespmem:s16+$0x8C0C]  }
0xf7: {  	v3 =	vadd.f32 v4, v3  }
0xf8: {  	v4 =	vld [tilespmem:s16+$0x8D0D]  }
0xf9: {  	v3 =	vadd.f32 v5, v3  }
0xfa: {  	v5 =	vld [tilespmem:s16+$0x8E0E]  }
0xfb: {  	v3 =	vadd.f32 v6, v3  }
0xfc: {  	v6 =	vld [tilespmem:s16+$0x8F0F]  }
0xfd: {  	v3 =	vadd.f32 v4, v3;
	_ =	sdelay $0x1  }
.Ltmp5:
0xfe: {  	v3 =	vadd.f32 v5, v3;
	(pc) =	sbr.rel @p0 .LBB2_11-.Ltmp5, $3  }
0xff: {  	_ = 	snop  }
0x100: {  	v3 =	vadd.f32 v6, v3;
	_ =	sdelay $0x1  }
0x101: {  	[tilespmem:s16+$0x8000] =	vst v3;
	s16 =	sshra.s32 s17, $0x2;
	s17 =	sadd.s32 $0x40, s17  }
0x102: {  	v3 =	vld [tilespmem:s16+$0x8000];
	_ =	sdelay $0x1  }
0x103: {  	v4 =	vld [tilespmem:s16+$0x8101];
	_ =	sdelay $0x1  }
0x104: {  	v5 =	vld [tilespmem:s16+$0x8202]  }
0x105: {  	v3 =	vadd.f32 $0.0e+00, v3  }
0x106: {  	v6 =	vld [tilespmem:s16+$0x8303]  }
0x107: {  	v3 =	vadd.f32 v4, v3  }
0x108: {  	v52 =	vld [tilespmem:s16+$0x8404]  }
0x109: {  	v3 =	vadd.f32 v5, v3  }
0x10a: {  	v53 =	vld [tilespmem:s16+$0x8505]  }
0x10b: {  	v3 =	vadd.f32 v6, v3  }
0x10c: {  	v54 =	vld [tilespmem:s16+$0x8606]  }
0x10d: {  	v3 =	vadd.f32 v52, v3  }
0x10e: {  	v55 =	vld [tilespmem:s16+$0x8707]  }
0x10f: {  	v3 =	vadd.f32 v53, v3  }
0x110: {  	v56 =	vld [tilespmem:s16+$0x8808]  }
0x111: {  	v3 =	vadd.f32 v54, v3  }
0x112: {  	v57 =	vld [tilespmem:s16+$0x8909]  }
0x113: {  	v3 =	vadd.f32 v55, v3  }
0x114: {  	v58 =	vld [tilespmem:s16+$0x8A0A]  }
0x115: {  	v3 =	vadd.f32 v56, v3  }
0x116: {  	v59 =	vld [tilespmem:s16+$0x8B0B]  }
0x117: {  	v3 =	vadd.f32 v57, v3  }
0x118: {  	v60 =	vld [tilespmem:s16+$0x8C0C]  }
0x119: {  	v3 =	vadd.f32 v58, v3  }
0x11a: {  	v61 =	vld [tilespmem:s16+$0x8D0D]  }
0x11b: {  	v3 =	vadd.f32 v59, v3  }
0x11c: {  	v62 =	vld [tilespmem:s16+$0x8E0E]  }
0x11d: {  	v3 =	vadd.f32 v60, v3  }
0x11e: {  	v63 =	vld [tilespmem:s16+$0x8F0F]  }
0x11f: {  	v3 =	vadd.f32 v61, v3;
	_ =	sdelay $0x1  }
0x120: {  	v3 =	vadd.f32 v62, v3;
	_ =	sdelay $0x1  }
0x121: {  	s15 =	sadd.s32 $0x1, s15;
	v3 =	vadd.f32 v63, v3  }
0x122: {  	p0 =	sne.s32 s15, s9  }
.Ltmp6:
0x123: {  	[tilespmem:s16+$0x8000] =	vst v3;
	(pc) =	sbr.rel @p0 .LBB2_1-.Ltmp6, $4  }
0x124: {  	[hbm4b:s8+s2] =	stream.linear.scatter [tilespmem:s12], [sflag:$0x3], $0x100, $0x38;
	[tilespmem:$0xA100] =	vst v63  }
0x125: {  	_ =	swait.ge [sflag:s14], $0x100  }
0x126: {  	[sflag:s14] =	ssyncset.done $0x0  }
0x127: {  	[sflag:s14] =	ssyncadd.s32 $0xFFFFFF00  }
0x128: {  	_ =	sfence.sel $0x180000  }
0x129: {  	[bflag:$0x0] =	sbarrier.arrive $0xFFFF  }
0x12a: {  	p0 =	sne.s32 s0, $0x0;
	_ =	strace $0x90000047  }
0x12b: {  	s0 =	sadd.s32 @!p0 $0x100000, s1;
	[bflag:$0x2] =	sbarrier.arrive $0xFFFF  }
0x12c: {  	[sflag:s0] =	ssyncadd.tile.s32 @!p0 $0x1;
	_ =	shalt  }
.Lfunc_end2:
_tile_overlayer_lowered:
.L_overlay_start_2:
0x12d: {  	(tag) =	ssettag $0x2  }
0x12e: {  	s0 =	rddreg [dreg:$0x0];
	s2 =	stileid.u32  }
0x12f: {  	s1 =	rddreg [dreg:$0x1];
	p0 =	sne.s32 s2, $0x0  }
0x130: {  	s3 =	rddreg [dreg:$0x2];
	[bflag:$0x3] =	sbarrier.arrive $0xFFFF;
	s2 =	simm.s32 @!p0 $0x1C03  }
0x131: {  	[timem:s3], [sflag:s2] =	dma.local @!p0 [hbm:s0], s1  }
0x132: {  	s0 =	simm.s32 @!p0 $0x3  }
0x133: {  	_ =	swait.ge @!p0 [sflag:s0], s1  }
0x134: {  	s1 =	ssub.s32 @!p0 $0x0, s1;
	[sflag:s0] =	ssyncset.done @!p0 $0x0  }
0x135: {  	[sflag:s0] =	ssyncadd.s32 @!p0 s1  }
0x136: {  	[bflag:$0x3] =	sbarrier.arrive $0xFFFF  }
0x137: {  	_ =	shalt  }

// kernel: kernel.8.cloned.1.call-start
scs
__scs_entry_jumppad:
0x0: {  	(pc) =	sbr.rel $0x88, $3  }
0x1: {  	(tag) =	ssettag $0x0;
	lr =	simm.s32 $0x1  }
0x2: {  	[smem:$0x3F9E] =	sst lr;
	_ =	strace $0xD0000000  }
0x3: {  	_ = 	snop  }
0x4: {  	_ = 	snop  }
0x5: {  	_ = 	snop  }
0x6: {  	_ = 	snop  }
0x7: {  	_ = 	snop  }
__scs_overlays_trampoline_lowered:
0x8: {  	[smem:$0x3FAD] =	sst s0  }
0x9: {  	[smem:$0x3FAE] =	sst s1  }
0xa: {  	[smem:$0x3FAF] =	sst s2  }
0xb: {  	[smem:$0x3FB0] =	sst s3  }
0xc: {  	[smem:$0x3FB1] =	sst s4  }
0xd: {  	[smem:$0x3FB2] =	sst s5  }
0xe: {  	[smem:$0x3FB3] =	sst s6  }
0xf: {  	[smem:$0x3FB4] =	sst s7  }
0x10: {  	[smem:$0x3FB5] =	sst s8  }
0x11: {  	[smem:$0x3FB6] =	sst s9;
	s0 =	simm.s32 @!p0 $0x0  }
0x12: {  	s1 =	sld [smem:$0x3F9C];
	s0 =	simm.s32 @p0 $0x1  }
0x13: {  	[smem:$0x3FB7] =	sst s0;
	s0 =	simm.s32 @!p1 $0x0  }
0x14: {  	s2 =	sld [smem:$0x3F9B];
	s0 =	simm.s32 @p1 $0x1  }
0x15: {  	[smem:$0x3FB8] =	sst s0;
	s0 =	simm.s32 @!p2 $0x0  }
0x16: {  	s3 =	sld [smem:$0x3FDB];
	s0 =	simm.s32 @p2 $0x1  }
0x17: {  	s4 =	simm.s32 $0x1BF5;
	[smem:$0x3FBA] =	sst s0  }
0x18: {  	s0 =	sld [smem:$0x3F9D];
	_ =	swait.ge [sflag:s4], $0x0  }
0x19: {  	s7 =	sld [smem:$0x3F9E]  }
0x1a: {  	s8 =	sadd.s32 $0xFFFFE003, lr  }
0x1b: {  	s9 =	sadd.s32 $0xFFFFFEF7, lr;
	s5 =	simm.s32 $0xFFFFFFFF;
	p2 =	slt.u32 s8, $0xFFFFF086  }
0x1c: {  	p1 =	slt.u32 s9, $0xF7A;
	s5 =	simm.s32 @!p2 $0x0  }
0x1d: {  	s5 =	simm.s32 @p1 $0x1;
	p0 =	seq.s32 s7, s2  }
0x1e: {  	s7 =	smul.u32 @!p0 $0xF7A, s2;
	p2 =	seq.s32 @!p0 s5, $0x0  }
0x1f: {  	s9 =	smul.u32 $0xF7A, s1;
	s8 =	simm.s32 @!p0 $0x1BF5;
	p2 =	por !p2, p0  }
0x20: {  	[sflag:s8] =	ssyncset.s32 @!p0 $0xFFFFF086;
	s6 =	sadd.s32 @!p0 s3, s7;
	s7 =	simm.s32 @!p0 $0x108  }
0x21: {  	s3 =	sadd.s32 s3, s9;
	s6 =	sadd.s32 @!p0 $0x88, s6;
	s7 =	simm.s32 @p2 $0x1082  }
0x22: {  	[simem:s7], [sflag:s8] =	dma.local @!p0 [hbm:s6], $0xF7A  }
0x23: {  	s9 =	sor.u32 $0xD0000000, s2;
	s6 =	simm.s32 $0x108;
	_ =	swait.ge @!p0 [sflag:s8], $0x0  }
0x24: {  	s3 =	sadd.s32 $0x88, s3;
	s6 =	simm.s32 @!p1 $0x1082;
	[sflag:s4] =	ssyncset.s32 $0xFFFFF086  }
0x25: {  	[simem:s6], [sflag:s4] =	dma.local [hbm:s3], $0xF7A  }
0x26: {  	[smem:$0x3F9E] =	sst s1;
	(tag) =	ssettag s2;
	_ =	strace s9  }
0x27: {  	s1 =	sld [smem:$0x3FAE]  }
0x28: {  	s2 =	sld [smem:$0x3FAF]  }
0x29: {  	s4 =	sld [smem:$0x3FB1]  }
0x2a: {  	p0 =	seq.s32 s5, $0x0;
	s5 =	sld [smem:$0x3FB2]  }
0x2b: {  	s6 =	sld [smem:$0x3FB3]  }
0x2c: {  	s7 =	sld [smem:$0x3FB4]  }
0x2d: {  	s3 =	simm.s32 $0x108;
	s8 =	sld [smem:$0x3FB5]  }
0x2e: {  	s3 =	simm.s32 @!p0 $0x1082;
	s9 =	sld [smem:$0x3FB6]  }
0x2f: {  	lr =	sadd.s32 s0, s3;
	s0 =	sld [smem:$0x3FAD]  }
0x30: {  	s3 =	sld [smem:$0x3FB0]  }
0x31: {  	[smem:$0x3FB9] =	sst s10  }
0x32: {  	s10 =	sld [smem:$0x3FB7];
	_ =	sdelay $0x3  }
0x33: {  	p0 =	seq.s32 s10, $0x1;
	s10 =	sld [smem:$0x3FB9];
	_ =	sdelay $0x3  }
0x34: {  	[smem:$0x3FB9] =	sst s10  }
0x35: {  	s10 =	sld [smem:$0x3FB8];
	_ =	sdelay $0x3  }
0x36: {  	p1 =	seq.s32 s10, $0x1;
	s10 =	sld [smem:$0x3FB9];
	_ =	sdelay $0x3  }
0x37: {  	[smem:$0x3FB9] =	sst s10  }
0x38: {  	s10 =	sld [smem:$0x3FBA]  }
0x39: {  	_ = 	snop;
	(pc) =	sbr.ind lr, $3  }
0x3a: {  	_ = 	snop  }
0x3b: {  	_ = 	snop  }
0x3c: {  	p2 =	seq.s32 s10, $0x1;
	s10 =	sld [smem:$0x3FB9]  }
0x3d: {  	_ =	shalt  }
0x3e: {  	_ =	shalt  }
0x3f: {  	_ =	shalt  }
0x40: {  	_ =	shalt  }
0x41: {  	_ =	shalt  }
0x42: {  	_ =	shalt  }
0x43: {  	_ =	shalt  }
0x44: {  	_ =	shalt  }
0x45: {  	_ =	shalt  }
0x46: {  	_ =	shalt  }
0x47: {  	_ =	shalt  }
0x48: {  	_ =	shalt  }
0x49: {  	_ =	shalt  }
0x4a: {  	_ =	shalt  }
0x4b: {  	_ =	shalt  }
0x4c: {  	_ =	shalt  }
0x4d: {  	_ =	shalt  }
0x4e: {  	_ =	shalt  }
0x4f: {  	_ =	shalt  }
0x50: {  	_ =	shalt  }
0x51: {  	_ =	shalt  }
0x52: {  	_ =	shalt  }
0x53: {  	_ =	shalt  }
0x54: {  	_ =	shalt  }
0x55: {  	_ =	shalt  }
0x56: {  	_ =	shalt  }
0x57: {  	_ =	shalt  }
0x58: {  	_ =	shalt  }
0x59: {  	_ =	shalt  }
0x5a: {  	_ =	shalt  }
0x5b: {  	_ =	shalt  }
0x5c: {  	_ =	shalt  }
0x5d: {  	_ =	shalt  }
0x5e: {  	_ =	shalt  }
0x5f: {  	_ =	shalt  }
0x60: {  	_ =	shalt  }
0x61: {  	_ =	shalt  }
0x62: {  	_ =	shalt  }
0x63: {  	_ =	shalt  }
0x64: {  	_ =	shalt  }
0x65: {  	_ =	shalt  }
0x66: {  	_ =	shalt  }
0x67: {  	_ =	shalt  }
0x68: {  	_ =	shalt  }
0x69: {  	_ =	shalt  }
0x6a: {  	_ =	shalt  }
0x6b: {  	_ =	shalt  }
0x6c: {  	_ =	shalt  }
0x6d: {  	_ =	shalt  }
0x6e: {  	_ =	shalt  }
0x6f: {  	_ =	shalt  }
0x70: {  	_ =	shalt  }
0x71: {  	_ =	shalt  }
0x72: {  	_ =	shalt  }
0x73: {  	_ =	shalt  }
0x74: {  	_ =	shalt  }
0x75: {  	_ =	shalt  }
0x76: {  	_ =	shalt  }
0x77: {  	_ =	shalt  }
0x78: {  	_ =	shalt  }
0x79: {  	_ =	shalt  }
0x7a: {  	_ =	shalt  }
0x7b: {  	_ =	shalt  }
0x7c: {  	_ =	shalt  }
0x7d: {  	_ =	shalt  }
0x7e: {  	_ =	shalt  }
0x7f: {  	_ =	shalt  }
0x80: {  	_ =	shalt  }
0x81: {  	_ =	shalt  }
0x82: {  	_ =	shalt  }
0x83: {  	_ =	shalt  }
0x84: {  	_ =	shalt  }
0x85: {  	_ =	shalt  }
0x86: {  	_ =	shalt  }
0x87: {  	_ =	shalt  }
.Lfunc_end0:
.L_simem_size_0:
called_computation.1_lowered:
.L_overlay_start_0:
0x88: {  	s2 =	sld [smem:$0x3FD9]  }
0x89: {  	s3 =	sld [smem:$0x3FFE];
	_ =	sdelay $0x1  }
0x8a: {  	s1 =	srdreg.scid  }
0x8b: {  	s0 =	sand.u32 $0x1, s1  }
0x8c: {  	s17 =	sshll.u32 s0, $0xA;
	s2 =	sadd.s32 s3, s2  }
0x8d: {  	s2 =	sadd.s32 s2, s17  }
0x8e: {  	[smem:$0x3FC5] =	sst s2  }
0x8f: {  	_ = 	snop  }
0x90: {  	s2 =	sld [smem:$0x3FD0];
	(tm) =	ssettm $0x1  }
0x91: {  	s18 =	sld [smem:$0x3FFB];
	_ =	sdelay $0x3  }
0x92: {  	_ =	strace s18  }
0x93: {  	s3 =	sld [smem:$0x3FFC];
	_ =	sdelay $0x3  }
0x94: {  	_ =	strace s3  }
0x95: {  	s3 =	sld [smem:$0x3FFD];
	_ =	sdelay $0x3  }
0x96: {  	_ =	strace s3  }
0x97: {  	_ =	strace $0x8FFFFFFF  }
0x98: {  	s19 =	sld [smem:$0x3FDB];
	_ =	sdelay $0x1  }
0x99: {  	s4 =	simm.s32 $_scs_section_size  }
0x9a: {  	s5 =	simm.s32 $_size__tile_overlayer_lowered;
	s6 =	simm.s32 $_tile_overlayer_lowered  }
0x9b: {  	s22 =	simm.s32 $0x1BFF;
	s21 =	sshll.u32 s6, $0x1;
	s3 =	sadd.s32 s4, s19  }
0x9c: {  	s7 =	simm.s32 $0x0;
	s20 =	sshll.u32 s5, $0x1;
	s5 =	sadd.s32 s21, s3  }
0x9d: {  	[timem:s7], [sflag:s22] =	dma.local [hbm:s5], s20  }
0x9e: {  	_ =	swait.ge [sflag:s22], s20  }
0x9f: {  	s4 =	ssub.s32 $0x0, s20;
	[sflag:s22] =	ssyncset.done $0x0  }
0xa0: {  	[sflag:s22] =	ssyncadd.s32 s4;
	_ =	sdelay $0x1  }
0xa1: {  	s23 =	simm.s32 $0x1B8B  }
0xa2: {  	_ =	swait.ge [sflag:s23], $0x1  }
0xa3: {  	[sflag:s23] =	ssyncset.done $0x0  }
0xa4: {  	s25 =	simm.s32 $0x1B8E;
	s24 =	sld [smem:$0x3FFE];
	[sflag:s23] =	ssyncadd.s32 $0xFFFFFFFF  }
0xa5: {  	s26 =	simm.s32 $execute0_lowered;
	[smem:$0x3FD2] =	sst s25  }
0xa6: {  	s5 =	sshll.u32 s26, $0x1;
	_ =	strace $0x80000049;
	[dreg:$0x1] =	wrdreg $0xFFFFFFFF  }
0xa7: {  	s28 =	simm.s32 $_size_execute0_lowered;
	s3 =	sadd.s32 s3, s5;
	[dreg:$0x0] =	wrdreg $0x0  }
0xa8: {  	s5 =	sshll.u32 s28, $0x1;
	[dreg:$0x2] =	wrdreg s3  }
0xa9: {  	[dreg:$0x3] =	wrdreg s5  }
0xaa: {  	[dreg:$0x4] =	wrdreg $0xC0  }
0xab: {  	_ =	task [dreg:s7], $0x5FFFF  }
0xac: {  	[dreg:$0x1] =	wrdreg $0xFFFFFFFF  }
0xad: {  	[dreg:$0x0] =	wrdreg $0x60  }
0xae: {  	[dreg:$0x2] =	wrdreg s24  }
0xaf: {  	[dreg:$0x3] =	wrdreg s2  }
0xb0: {  	[dreg:$0x4] =	wrdreg $0x9  }
0xb1: {  	_ =	task.clear_ibuf [dreg:s7], $0x5FFFF;
	_ =	strace $0x90000049  }
0xb2: {  	s29 =	simm.s32 $0x9;
	_ =	strace $0x8000004B  }
0xb3: {  	_ =	swait.ge [sflag:s29], $0x1  }
0xb4: {  	[sflag:s29] =	ssyncadd.s32 $0xFFFFFFFF  }
0xb5: {  	_ =	strace $0x9000004B  }
0xb6: {  	_ =	sfence  }
0xb7: {  	s30 =	sld [smem:$0x0];
	_ =	sdelay $0x2  }
0xb8: {  	s31 =	sshll.u32 s1, $0xD;
	s1 =	sshrl.u32 s1, $0x2  }
0xb9: {  	s3 =	sand.u32 $0x4000, s31;
	s1 =	sadd.s32 s1, s30  }
0xba: {  	s0 =	sor.u32 s3, s0;
	s1 =	sshll.u32 s1, $0x11  }
0xbb: {  	s0 =	sor.u32 s1, s0  }
0xbc: {  	s0 =	sadd.s32 $0x8F2B, s0  }
0xbd: {  	[sflag:s0] =	ssyncadd.remote.s32 $0x1  }
0xbe: {  	_ =	sfence.sel $0xFFFF  }
0xbf: {  	[dreg:$0x0] =	wrdreg $0xFFFFFFFF;
	(pc) =	sbr.abs _section_cstart, $3  }
0xc0: {  	[dreg:$0x1] =	wrdreg $0xFFFFFFFF  }
0xc1: {  	_ =	task.clear_ibuf [dreg:s7], $0x2FFFF;
	_ =	strace $0x9FFFFFFF  }
0xc2: {  	(tm) =	ssettm $0x7FFFFFFF  }
0xc3: {  	_ =	shalt  }
tec
execute0_lowered:
.L_overlay_start_1:
0x0: {  	(tag) =	ssettag $0x1  }
0x1: {  	s2 =	rddreg [dreg:$0x0]  }
0x2: {  	s4 =	rddreg [dreg:$0x1]  }
0x3: {  	s0 =	rddreg [dreg:$0x2]  }
0x4: {  	s3 =	simm.s32 $0x0;
	s1 =	stileid.u32;
	s5 =	srdreg.scid  }
0x5: {  	s14 =	simm.s32 $0x3;
	s15 =	simm.s32 $0x18180;
	s16 =	simm.s32 $0x4000  }
0x6: {  	s17 =	simm.s32 $0x1;
	s18 =	simm.s32 $0x8000;
	s19 =	simm.s32 $0x10080  }
0x7: {  	s20 =	simm.s32 $0x2;
	s21 =	simm.s32 $0x0;
	[smem:$0x7FF] =	sst s3  }
0x8: {  	s5 =	sand.u32 $0x1, s5;
	s6 =	sshll.u32 s1, $0x1;
	s7 =	sand.u32 $0xE, s1  }
0x9: {  	s9 =	sshll.u32 s1, $0x14;
	_ =	strace $0x8000004A;
	s6 =	sor.u32 s5, s6  }
0xa: {  	s5 =	ssub.s32 $0x2, s5;
	s9 =	sand.u32 $0xE00000, s9;
	s10 =	sadd.s32 s7, s2  }
0xb: {  	s8 =	smul.u32 $0x101, s6;
	s6 =	sshll.u32 s6, $0x13;
	s11 =	sshrl.u32 s5, $0x1  }
0xc: {  	s4 =	sadd.s32 s4, s7;
	s6 =	sand.u32 $0x180000, s6;
	s13 =	ssub.s32 s5, s11  }
0xd: {  	v0 =	vlaneseq.u32;
	s5 =	sadd.s32 $0x200000, s10;
	s9 =	sor.u32 s9, s6;
	s12 =	sadd.s32 s8, s2  }
0xe: {  	v0 =	vmul.u32 $0x803, v0;
	s6 =	sshrl.u32 s9, $0x3;
	s8 =	sor.u32 $0x8000, s9;
	s9 =	sor.u32 $0xC000, s9  }
0xf: {  	s10 =	sadd.s32 $0x200200, s12;
	s11 =	sadd.s32 $0x202400, s12;
	s6 =	sadd.s32 s2, s6  }
0x10: {  	v1 =	vimm.f32 $0.0e+00;
	v3 =	vimm.f32 $1.000000000e+00;
	v2 =	vadd.s32 $0x800, v0;
	s12 =	smax.u32 s13, $0x1;
	s13 =	simm.s32 $0x18100;
	s7 =	sadd.s32 $0x800, s6  }
.LBB2_1:
0x11: {  	s22 =	simm.s32 $0x40;
	s23 =	simm.s32 $0x0  }
.LBB2_2:
0x12: {  	p0 =	sne.s32 s22, $0x200C0;
	[tilespmem:s23+$0x8000] =	vst v1;
	s24 =	smov.u32 s22;
	s22 =	sadd.s32 $0x40, s22  }
.Ltmp0:
0x13: {  	[tilespmem:s23+$0x10080] =	vst v1;
	(pc) =	sbr.rel @p0 .LBB2_2-.Ltmp0, $2  }
0x14: {  	_ =	sdelay $0x2  }
0x15: {  	s23 =	sshra.s32 s24, $0x2  }
0x16: {  	[tilespmem:s23+$0x8000] =	vst v1  }
0x17: {  	[tilespmem:s23+$0x10080] =	vst v1;
	s22 =	simm.s32 $0x0  }
0x18: {  	[tilespmem:s13], [sflag:$0x3] =	stream.linear.gather [hbm4b:s4+s22], $0x10, $0x38;
	[tilespmem:$0x18200] =	vst v63  }
0x19: {  	_ =	swait.ge [sflag:s14], $0x10  }
0x1a: {  	[sflag:s14] =	ssyncset.done $0x0  }
0x1b: {  	[sflag:s14] =	ssyncadd.s32 $0xFFFFFFF0  }
0x1c: {  	[tilespmem:s15], [sflag:$0x3] =	stream.linear.gather [hbm4b:s5+s22], $0x10, $0x38;
	[tilespmem:$0x18200] =	vst v63  }
0x1d: {  	_ =	swait.ge [sflag:s14], $0x10  }
0x1e: {  	[sflag:s14] =	ssyncset.done $0x0  }
0x1f: {  	[sflag:s14] =	ssyncadd.s32 $0xFFFFFFF0  }
0x20: {  	v4 =	vld [tilespmem:$0x18100]  }
0x21: {  	v5 =	vld [tilespmem:$0x18180];
	[tilespmem:s22], [sflag:$0x1] =	stream.linear.gather [hbm4b:s6+s22], $0x4000, $0x38  }
0x22: {  	_ = 	snop  }
0x23: {  	[tilespmem:s16], [sflag:$0x2] =	stream.linear.gather [hbm4b:s7+s22], $0x4000, $0x38;
	[tilespmem:$0x18200] =	vst v63  }
.LBB2_4:
0x24: {  	_ =	swait.ge [sflag:s17], $0x4000  }
0x25: {  	[sflag:s17] =	ssyncset.done $0x0  }
0x26: {  	s23 =	simm.s32 $0x40;
	[sflag:s17] =	ssyncadd.s32 $0xFFFFC000  }
0x27: {  	v17 =	vld [tilespmem:s23+$0xFFFFFFC0]  }
0x28: {  	v9 =	vld [tilespmem:s23+$0x20]  }
0x29: {  	v12 =	vld [tilespmem:s23+$0xFFFFFFF0];
	_ =	sdelay $0x1  }
0x2a: {  	v6 =	vld [tilespmem:s23+$0xFFFFFFE0]  }
0x2b: {  	v11 =	vld [tilespmem:s23+$0x10]  }
0x2c: {  	v8 =	vshrl.u32 v17, $0xC;
	vm2 =	vle.s32 v4, v17  }
0x2d: {  	vm0 =	vgt.s32 v5, v17;
	vm3 =	vgt.s32 v5, v9;
	v10 =	vshrl.u32 v12, $0xC  }
0x2e: {  	v13 =	vshrl.u32 v9, $0xC;
	vm1 =	vle.s32 v4, v12;
	v8 =	vand.u32 $0x7FF, v8  }
0x2f: {  	v14 =	vshrl.u32 v6, $0xC;
	vm4 =	vgt.s32 v5, v6;
	v8 =	vadd.s32 v0, v8  }
0x30: {  	v7 =	vld [tilespmem:s23+$0x0];
	vm5 =	vgt.s32 v5, v11;
	v13 =	vand.u32 $0x7FF, v13;
	v18 =	vsel vm0, v8, v2  }
0x31: {  	v10 =	vand.u32 $0x7FF, v10;
	v14 =	vand.u32 $0x7FF, v14;
	v13 =	vadd.s32 v0, v13;
	v8 =	vld [tilespmem:s23+$0xFFFFFFD0]  }
0x32: {  	v19 =	vadd.s32 v0, v10;
	v10 =	vshrl.u32 v11, $0xC;
	vm0 =	vle.s32 v4, v9  }
0x33: {  	v14 =	vadd.s32 v0, v14;
	v13 =	vsel vm3, v13, v2;
	v15 =	vand.u32 $0x7FF, v10  }
0x34: {  	v10 =	vsel vm4, v14, v2;
	vm3 =	vle.s32 v4, v11;
	v14 =	vadd.s32 v0, v15;
	v15 =	vld [tilespmem:s23+$0x30]  }
0x35: {  	vm4 =	vgt.s32 v5, v12;
	v14 =	vsel vm5, v14, v2;
	[tilespmem:v18+s18+$0x0] =	vst.idx.add.f32.msk vm2, v3  }
0x36: {  	v16 =	vshrl.u32 v7, $0xC;
	v20 =	vshrl.u32 v8, $0xC;
	[tilespmem:v18+s19+$0x0] =	vst.idx.add.f32.msk vm2, v17;
	v17 =	vsel vm4, v19, v2  }
0x37: {  	vm6 =	vle.s32 v4, v6;
	v21 =	vand.u32 $0x7FF, v16;
	v20 =	vand.u32 $0x7FF, v20  }
0x38: {  	s24 =	simm.s32 $0xC0;
	s23 =	simm.s32 $0x0;
	v18 =	vadd.s32 v0, v21;
	vm2 =	vmmov vm6;
	[tilespmem:v13+s18+$0x0] =	vst.idx.add.f32.msk vm0, v3;
	v16 =	vadd.s32 v0, v20  }
.LBB2_5:
0x39: {  	v19 =	vld [tilespmem:s24+$0xFFFFFFD0];
	s23 =	sadd.s32 $0x8, s23  }
0x3a: {  	p0 =	slt.u32 s23, $0x3F8;
	[tilespmem:v14+s18+$0x0] =	vst.idx.add.f32.msk vm3, v3  }
0x3b: {  	[tilespmem:v17+s18+$0x0] =	vst.idx.add.f32.msk vm1, v3;
	v20 =	vshrl.u32 v15, $0xC  }
0x3c: {  	v21 =	vld [tilespmem:s24+$0x20];
	v20 =	vand.u32 $0x7FF, v20  }
0x3d: {  	vm4 =	vgt.s32 v5, v15;
	vm6 =	vle.s32 v4, v15;
	v22 =	vld [tilespmem:s24+$0xFFFFFFC0];
	v20 =	vadd.s32 v0, v20  }
0x3e: {  	vm5 =	vgt.s32 v5, v7;
	vm8 =	vle.s32 v4, v7;
	v23 =	vld [tilespmem:s24+$0xFFFFFFE0];
	v20 =	vsel vm4, v20, v2  }
0x3f: {  	v18 =	vsel vm5, v18, v2;
	v24 =	vld [tilespmem:s24+$0x0]  }
0x40: {  	v25 =	vld [tilespmem:s24+$0xFFFFFFF0]  }
0x41: {  	vm5 =	vle.s32 v4, v8;
	v26 =	vld [tilespmem:s24+$0x10]  }
0x42: {  	vm7 =	vgt.s32 v5, v8;
	v27 =	vshrl.u32 v22, $0xC;
	vm4 =	vle.s32 v4, v22;
	[tilespmem:v10+s18+$0x0] =	vst.idx.add.f32.msk vm2, v3  }
0x43: {  	v16 =	vsel vm7, v16, v2;
	vm9 =	vgt.s32 v5, v22;
	v27 =	vand.u32 $0x7FF, v27;
	[tilespmem:v17+s19+$0x0] =	vst.idx.add.f32.msk vm1, v12  }
0x44: {  	vm7 =	vgt.s32 v5, v21;
	v12 =	vadd.s32 v0, v27;
	v17 =	vshrl.u32 v24, $0xC;
	[tilespmem:v18+s18+$0x0] =	vst.idx.add.f32.msk vm8, v3  }
0x45: {  	v28 =	vshrl.u32 v21, $0xC;
	v27 =	vsel vm9, v12, v2;
	v12 =	vshrl.u32 v25, $0xC;
	[tilespmem:v18+s19+$0x0] =	vst.idx.add.f32.msk vm8, v7;
	v7 =	vmovc v24  }
0x46: {  	vm1 =	vle.s32 v4, v25;
	v12 =	vand.u32 $0x7FF, v12;
	[tilespmem:v13+s19+$0x0] =	vst.idx.add.f32.msk vm0, v9;
	vm0 =	vle.s32 v4, v21  }
0x47: {  	v29 =	vshrl.u32 v23, $0xC;
	vm9 =	vgt.s32 v5, v23;
	vm10 =	vgt.s32 v5, v26;
	[tilespmem:v20+s18+$0x0] =	vst.idx.add.f32.msk vm6, v3  }
0x48: {  	v24 =	vand.u32 $0x7FF, v28;
	v13 =	vand.u32 $0x7FF, v29;
	v9 =	vmovc v21;
	v18 =	vadd.s32 v0, v12;
	[tilespmem:v14+s19+$0x0] =	vst.idx.add.f32.msk vm3, v11  }
0x49: {  	vm8 =	vle.s32 v4, v23;
	v21 =	vand.u32 $0x7FF, v17;
	v11 =	vshrl.u32 v19, $0xC;
	[tilespmem:v20+s19+$0x0] =	vst.idx.add.f32.msk vm6, v15;
	v12 =	vmovc v25  }
0x4a: {  	v13 =	vadd.s32 v0, v13;
	v14 =	vshrl.u32 v26, $0xC;
	v15 =	vadd.s32 v0, v24;
	[tilespmem:v16+s18+$0x0] =	vst.idx.add.f32.msk vm5, v3  }
0x4b: {  	v20 =	vsel vm9, v13, v2;
	v14 =	vand.u32 $0x7FF, v14;
	v13 =	vsel vm7, v15, v2;
	[tilespmem:v27+s18+$0x0] =	vst.idx.add.f32.msk vm4, v3  }
.Ltmp1:
0x4c: {  	vm3 =	vle.s32 v4, v26;
	v11 =	vand.u32 $0x7FF, v11;
	v14 =	vadd.s32 v0, v14;
	[tilespmem:v16+s19+$0x0] =	vst.idx.add.f32.msk vm5, v8;
	(pc) =	sbr.rel @p0 .LBB2_5-.Ltmp1, $4  }
0x4d: {  	v14 =	vsel vm10, v14, v2;
	vm5 =	vgt.s32 v5, v12;
	v8 =	vmov v19;
	[tilespmem:v10+s19+$0x0] =	vst.idx.add.f32.msk vm2, v6  }
0x4e: {  	v16 =	vadd.s32 v0, v11;
	v17 =	vsel vm5, v18, v2;
	v18 =	vadd.s32 v0, v21;
	v6 =	vmovc v23;
	v15 =	vld [tilespmem:s24+$0x30]  }
0x4f: {  	v11 =	vmov v26;
	v10 =	vmov v20;
	vm2 =	vmmov vm8;
	[tilespmem:v27+s19+$0x0] =	vst.idx.add.f32.msk vm4, v22  }
0x50: {  	s24 =	sadd.s32 $0x80, s24;
	[tilespmem:v13+s18+$0x0] =	vst.idx.add.f32.msk vm0, v3  }
0x51: {  	_ =	sdelay $0x4  }
0x52: {  	[tilespmem:v14+s18+$0x0] =	vst.idx.add.f32.msk vm3, v3  }
0x53: {  	[tilespmem:v17+s18+$0x0] =	vst.idx.add.f32.msk vm1, v3  }
0x54: {  	vm4 =	vgt.s32 v5, v7;
	vm5 =	vle.s32 v4, v7;
	[tilespmem:v10+s18+$0x0] =	vst.idx.add.f32.msk vm2, v3;
	v19 =	vshrl.u32 v15, $0xC  }
0x55: {  	[tilespmem:v13+s19+$0x0] =	vst.idx.add.f32.msk vm0, v9;
	v18 =	vsel vm4, v18, v2;
	v19 =	vand.u32 $0x7FF, v19  }
0x56: {  	vm4 =	vgt.s32 v5, v15;
	vm6 =	vle.s32 v4, v15;
	v19 =	vadd.s32 v0, v19  }
0x57: {  	[tilespmem:v17+s19+$0x0] =	vst.idx.add.f32.msk vm1, v12;
	v19 =	vsel vm4, v19, v2  }
0x58: {  	vm1 =	vle.s32 v4, v8;
	[tilespmem:v14+s19+$0x0] =	vst.idx.add.f32.msk vm3, v11;
	vm4 =	vgt.s32 v5, v8  }
0x59: {  	[tilespmem:v10+s19+$0x0] =	vst.idx.add.f32.msk vm2, v6;
	v12 =	vsel vm4, v16, v2  }
0x5a: {  	[tilespmem:v18+s18+$0x0] =	vst.idx.add.f32.msk vm5, v3  }
0x5b: {  	[tilespmem:v18+s19+$0x0] =	vst.idx.add.f32.msk vm5, v7  }
0x5c: {  	s23 =	sshll.u32 s22, $0xF;
	p0 =	seq.s32 s22, $0xF;
	[tilespmem:v19+s18+$0x0] =	vst.idx.add.f32.msk vm6, v3  }
0x5d: {  	s24 =	sadd.s32 @!p0 s23, s8;
	[tilespmem:v19+s19+$0x0] =	vst.idx.add.f32.msk vm6, v15  }
0x5e: {  	s24 =	sshrl.u32 @!p0 s24, $0x3;
	[tilespmem:v12+s18+$0x0] =	vst.idx.add.f32.msk vm1, v3  }
0x5f: {  	s25 =	simm.s32 @!p0 $0x0;
	s24 =	sadd.s32 @!p0 s2, s24;
	[tilespmem:v12+s19+$0x0] =	vst.idx.add.f32.msk vm1, v8  }
0x60: {  	[tilespmem:s25], [sflag:$0x1] =	stream.linear.gather @!p0 [hbm4b:s24+s25], $0x4000, $0x38;
	[tilespmem:$0x18200] =	vst v63  }
0x61: {  	_ =	swait.ge [sflag:s20], $0x4000  }
0x62: {  	[sflag:s20] =	ssyncset.done $0x0  }
0x63: {  	s31 =	simm.s32 $0x4040;
	[sflag:s20] =	ssyncadd.s32 $0xFFFFC000  }
0x64: {  	v17 =	vld [tilespmem:s31+$0xFFFFFFC0]  }
0x65: {  	v9 =	vld [tilespmem:s31+$0x20]  }
0x66: {  	v6 =	vld [tilespmem:s31+$0x0]  }
0x67: {  	v12 =	vld [tilespmem:s31+$0xFFFFFFF0]  }
0x68: {  	v7 =	vld [tilespmem:s31+$0xFFFFFFE0];
	_ =	sdelay $0x2  }
0x69: {  	v8 =	vshrl.u32 v17, $0xC;
	vm2 =	vle.s32 v4, v17;
	vm0 =	vgt.s32 v5, v17  }
0x6a: {  	v11 =	vld [tilespmem:s31+$0x10];
	v15 =	vshrl.u32 v6, $0xC;
	vm3 =	vgt.s32 v5, v9;
	v13 =	vshrl.u32 v9, $0xC  }
0x6b: {  	vm1 =	vle.s32 v4, v12;
	v14 =	vshrl.u32 v7, $0xC;
	v10 =	vand.u32 $0x7FF, v8  }
0x6c: {  	vm4 =	vgt.s32 v5, v7;
	v13 =	vand.u32 $0x7FF, v13;
	v10 =	vadd.s32 v0, v10  }
0x6d: {  	v14 =	vand.u32 $0x7FF, v14;
	v18 =	vsel vm0, v10, v2;
	v10 =	vshrl.u32 v12, $0xC  }
0x6e: {  	v8 =	vld [tilespmem:s31+$0xFFFFFFD0];
	v13 =	vadd.s32 v0, v13;
	vm0 =	vle.s32 v4, v9;
	v10 =	vand.u32 $0x7FF, v10  }
0x6f: {  	v19 =	vadd.s32 v0, v10;
	v10 =	vadd.s32 v0, v14;
	v14 =	vshrl.u32 v11, $0xC  }
0x70: {  	vm5 =	vgt.s32 v5, v11;
	v13 =	vsel vm3, v13, v2;
	v14 =	vand.u32 $0x7FF, v14  }
0x71: {  	vm3 =	vle.s32 v4, v11;
	v10 =	vsel vm4, v10, v2;
	v20 =	vadd.s32 v0, v14;
	v14 =	vld [tilespmem:s31+$0x30]  }
0x72: {  	v21 =	vand.u32 $0x7FF, v15;
	vm4 =	vgt.s32 v5, v12;
	[tilespmem:v18+s18+$0x0] =	vst.idx.add.f32.msk vm2, v3;
	v15 =	vsel vm5, v20, v2  }
0x73: {  	v16 =	vshrl.u32 v8, $0xC;
	[tilespmem:v18+s19+$0x0] =	vst.idx.add.f32.msk vm2, v17;
	v17 =	vsel vm4, v19, v2  }
0x74: {  	vm15 =	vle.s32 v4, v7;
	v16 =	vand.u32 $0x7FF, v16  }
0x75: {  	s24 =	simm.s32 $0x0;
	s25 =	simm.s32 $0x40C0;
	v16 =	vadd.s32 v0, v16;
	v18 =	vadd.s32 v0, v21;
	vm2 =	vmmov vm15;
	[tilespmem:v13+s18+$0x0] =	vst.idx.add.f32.msk vm0, v3  }
.LBB2_7:
0x76: {  	v19 =	vld [tilespmem:s25+$0xFFFFFFD0];
	s24 =	sadd.s32 $0x8, s24  }
0x77: {  	p1 =	slt.u32 s24, $0x3F8;
	[tilespmem:v15+s18+$0x0] =	vst.idx.add.f32.msk vm3, v3  }
0x78: {  	[tilespmem:v17+s18+$0x0] =	vst.idx.add.f32.msk vm1, v3;
	v20 =	vshrl.u32 v14, $0xC  }
0x79: {  	v21 =	vld [tilespmem:s25+$0x20];
	v20 =	vand.u32 $0x7FF, v20  }
0x7a: {  	vm4 =	vgt.s32 v5, v14;
	vm6 =	vle.s32 v4, v14;
	v22 =	vld [tilespmem:s25+$0xFFFFFFC0];
	v20 =	vadd.s32 v0, v20  }
0x7b: {  	vm5 =	vgt.s32 v5, v6;
	vm8 =	vle.s32 v4, v6;
	v23 =	vld [tilespmem:s25+$0xFFFFFFE0];
	v20 =	vsel vm4, v20, v2  }
0x7c: {  	v18 =	vsel vm5, v18, v2;
	v24 =	vld [tilespmem:s25+$0x0]  }
0x7d: {  	v25 =	vld [tilespmem:s25+$0xFFFFFFF0]  }
0x7e: {  	vm5 =	vle.s32 v4, v8;
	v26 =	vld [tilespmem:s25+$0x10]  }
0x7f: {  	vm7 =	vgt.s32 v5, v8;
	v27 =	vshrl.u32 v22, $0xC;
	vm4 =	vle.s32 v4, v22;
	[tilespmem:v10+s18+$0x0] =	vst.idx.add.f32.msk vm2, v3  }
0x80: {  	v16 =	vsel vm7, v16, v2;
	vm9 =	vgt.s32 v5, v22;
	v27 =	vand.u32 $0x7FF, v27;
	[tilespmem:v17+s19+$0x0] =	vst.idx.add.f32.msk vm1, v12  }
0x81: {  	vm7 =	vgt.s32 v5, v21;
	v12 =	vadd.s32 v0, v27;
	v17 =	vshrl.u32 v24, $0xC;
	[tilespmem:v18+s18+$0x0] =	vst.idx.add.f32.msk vm8, v3  }
0x82: {  	v28 =	vshrl.u32 v21, $0xC;
	v27 =	vsel vm9, v12, v2;
	v12 =	vshrl.u32 v25, $0xC;
	[tilespmem:v18+s19+$0x0] =	vst.idx.add.f32.msk vm8, v6;
	v6 =	vmovc v24  }
0x83: {  	vm1 =	vle.s32 v4, v25;
	v12 =	vand.u32 $0x7FF, v12;
	[tilespmem:v13+s19+$0x0] =	vst.idx.add.f32.msk vm0, v9;
	vm0 =	vle.s32 v4, v21  }
0x84: {  	v29 =	vshrl.u32 v23, $0xC;
	vm9 =	vgt.s32 v5, v23;
	vm10 =	vgt.s32 v5, v26;
	[tilespmem:v20+s18+$0x0] =	vst.idx.add.f32.msk vm6, v3  }
0x85: {  	v24 =	vand.u32 $0x7FF, v28;
	v13 =	vand.u32 $0x7FF, v29;
	v9 =	vmovc v21;
	v18 =	vadd.s32 v0, v12;
	[tilespmem:v15+s19+$0x0] =	vst.idx.add.f32.msk vm3, v11  }
0x86: {  	vm8 =	vle.s32 v4, v23;
	v21 =	vand.u32 $0x7FF, v17;
	v11 =	vshrl.u32 v19, $0xC;
	[tilespmem:v20+s19+$0x0] =	vst.idx.add.f32.msk vm6, v14;
	v12 =	vmovc v25  }
0x87: {  	v13 =	vadd.s32 v0, v13;
	v15 =	vadd.s32 v0, v24;
	v14 =	vshrl.u32 v26, $0xC;
	[tilespmem:v16+s18+$0x0] =	vst.idx.add.f32.msk vm5, v3  }
0x88: {  	v20 =	vsel vm9, v13, v2;
	v13 =	vsel vm7, v15, v2;
	v14 =	vand.u32 $0x7FF, v14;
	[tilespmem:v27+s18+$0x0] =	vst.idx.add.f32.msk vm4, v3  }
.Ltmp2:
0x89: {  	vm3 =	vle.s32 v4, v26;
	v11 =	vand.u32 $0x7FF, v11;
	v14 =	vadd.s32 v0, v14;
	[tilespmem:v16+s19+$0x0] =	vst.idx.add.f32.msk vm5, v8;
	(pc) =	sbr.rel @p1 .LBB2_7-.Ltmp2, $4  }
0x8a: {  	vm5 =	vgt.s32 v5, v12;
	v15 =	vsel vm10, v14, v2;
	v8 =	vmov v19;
	[tilespmem:v10+s19+$0x0] =	vst.idx.add.f32.msk vm2, v7  }
0x8b: {  	v16 =	vadd.s32 v0, v11;
	v17 =	vsel vm5, v18, v2;
	v18 =	vadd.s32 v0, v21;
	v7 =	vmovc v23;
	v14 =	vld [tilespmem:s25+$0x30]  }
0x8c: {  	v11 =	vmov v26;
	v10 =	vmov v20;
	vm2 =	vmmov vm8;
	[tilespmem:v27+s19+$0x0] =	vst.idx.add.f32.msk vm4, v22  }
0x8d: {  	s25 =	sadd.s32 $0x80, s25;
	[tilespmem:v13+s18+$0x0] =	vst.idx.add.f32.msk vm0, v3  }
0x8e: {  	_ =	sdelay $0x4  }
0x8f: {  	[tilespmem:v15+s18+$0x0] =	vst.idx.add.f32.msk vm3, v3  }
0x90: {  	vm4 =	vgt.s32 v5, v6;
	[tilespmem:v17+s18+$0x0] =	vst.idx.add.f32.msk vm1, v3  }
0x91: {  	vm5 =	vle.s32 v4, v6;
	[tilespmem:v10+s18+$0x0] =	vst.idx.add.f32.msk vm2, v3;
	vm14 =	vle.s32 v4, v8  }
0x92: {  	vm15 =	vgt.s32 v5, v8;
	[tilespmem:v13+s19+$0x0] =	vst.idx.add.f32.msk vm0, v9;
	v18 =	vsel vm4, v18, v2  }
0x93: {  	[tilespmem:v17+s19+$0x0] =	vst.idx.add.f32.msk vm1, v12;
	v63 =	vsel vm15, v16, v2;
	v19 =	vshrl.u32 v14, $0xC  }
0x94: {  	[tilespmem:v15+s19+$0x0] =	vst.idx.add.f32.msk vm3, v11;
	v19 =	vand.u32 $0x7FF, v19  }
0x95: {  	vm13 =	vgt.s32 v5, v14;
	vm6 =	vle.s32 v4, v14;
	v19 =	vadd.s32 v0, v19  }
0x96: {  	[tilespmem:v10+s19+$0x0] =	vst.idx.add.f32.msk vm2, v7;
	v19 =	vsel vm13, v19, v2  }
0x97: {  	[tilespmem:v18+s18+$0x0] =	vst.idx.add.f32.msk vm5, v3  }
.Ltmp3:
0x98: {  	[tilespmem:v63+s18+$0x0] =	vst.idx.add.f32.msk vm14, v3;
	(pc) =	sbr.rel @p0 .LBB2_10-.Ltmp3, $4  }
0x99: {  	[tilespmem:v18+s19+$0x0] =	vst.idx.add.f32.msk vm5, v6  }
0x9a: {  	[tilespmem:v63+s19+$0x0] =	vst.idx.add.f32.msk vm14, v8  }
0x9b: {  	[tilespmem:v19+s18+$0x0] =	vst.idx.add.f32.msk vm6, v3  }
0x9c: {  	[tilespmem:v19+s19+$0x0] =	vst.idx.add.f32.msk vm6, v14  }
.Ltmp4:
0x9d: {  	(pc) =	sbr.rel .LBB2_4-.Ltmp4, $4  }
0x9e: {  	s23 =	sadd.s32 s23, s9  }
0x9f: {  	s23 =	sshrl.u32 s23, $0x3  }
0xa0: {  	s22 =	sadd.s32 $0x1, s22;
	s23 =	sadd.s32 s2, s23  }
0xa1: {  	[tilespmem:s16], [sflag:$0x2] =	stream.linear.gather [hbm4b:s23+s3], $0x4000, $0x38;
	[tilespmem:$0x18200] =	vst v63  }
.LBB2_10:
0xa2: {  	s22 =	simm.s32 $0x0  }
0xa3: {  	s23 =	simm.s32 $0x40;
	v4 =	vld [tilespmem:s22+$0x8000]  }
.LBB2_11:
0xa4: {  	p0 =	sne.s32 s23, $0x2000;
	v5 =	vld [tilespmem:s22+$0x10080]  }
0xa5: {  	v6 =	vld [tilespmem:s22+$0x8803]  }
0xa6: {  	v7 =	vld [tilespmem:s22+$0x10883]  }
0xa7: {  	v8 =	vld [tilespmem:s22+$0x9006]  }
0xa8: {  	v4 =	vadd.f32 $0.0e+00, v4;
	v9 =	vld [tilespmem:s22+$0x11086]  }
0xa9: {  	v5 =	vadd.f32 $0.0e+00, v5;
	v10 =	vld [tilespmem:s22+$0x9809]  }
0xaa: {  	v4 =	vadd.f32 v6, v4;
	v6 =	vld [tilespmem:s22+$0x11889]  }
0xab: {  	v5 =	vadd.f32 v7, v5;
	v7 =	vld [tilespmem:s22+$0xA00C]  }
0xac: {  	v4 =	vadd.f32 v8, v4;
	v8 =	vld [tilespmem:s22+$0x1208C]  }
0xad: {  	v5 =	vadd.f32 v9, v5;
	v9 =	vld [tilespmem:s22+$0xA80F]  }
0xae: {  	v4 =	vadd.f32 v10, v4;
	v10 =	vld [tilespmem:s22+$0x1288F]  }
0xaf: {  	v5 =	vadd.f32 v6, v5;
	v6 =	vld [tilespmem:s22+$0xB012]  }
0xb0: {  	v4 =	vadd.f32 v7, v4;
	v7 =	vld [tilespmem:s22+$0x13092]  }
0xb1: {  	v5 =	vadd.f32 v8, v5;
	v8 =	vld [tilespmem:s22+$0xB815]  }
0xb2: {  	v4 =	vadd.f32 v9, v4;
	v9 =	vld [tilespmem:s22+$0x13895]  }
0xb3: {  	v5 =	vadd.f32 v10, v5;
	v10 =	vld [tilespmem:s22+$0xC018]  }
0xb4: {  	v4 =	vadd.f32 v6, v4;
	v6 =	vld [tilespmem:s22+$0x14098]  }
0xb5: {  	v5 =	vadd.f32 v7, v5;
	v7 =	vld [tilespmem:s22+$0xC81B]  }
0xb6: {  	v4 =	vadd.f32 v8, v4;
	v8 =	vld [tilespmem:s22+$0x1489B]  }
0xb7: {  	v5 =	vadd.f32 v9, v5;
	v9 =	vld [tilespmem:s22+$0xD01E]  }
0xb8: {  	v4 =	vadd.f32 v10, v4;
	v10 =	vld [tilespmem:s22+$0x1509E]  }
0xb9: {  	v5 =	vadd.f32 v6, v5;
	v6 =	vld [tilespmem:s22+$0xD821]  }
0xba: {  	v4 =	vadd.f32 v7, v4;
	v7 =	vld [tilespmem:s22+$0x158A1]  }
0xbb: {  	v5 =	vadd.f32 v8, v5;
	v8 =	vld [tilespmem:s22+$0xE024]  }
0xbc: {  	v4 =	vadd.f32 v9, v4;
	v9 =	vld [tilespmem:s22+$0x160A4]  }
0xbd: {  	v5 =	vadd.f32 v10, v5;
	v10 =	vld [tilespmem:s22+$0xE827]  }
0xbe: {  	v4 =	vadd.f32 v6, v4;
	v6 =	vld [tilespmem:s22+$0x168A7]  }
0xbf: {  	v5 =	vadd.f32 v7, v5;
	v7 =	vld [tilespmem:s22+$0xF02A]  }
0xc0: {  	v4 =	vadd.f32 v8, v4;
	v8 =	vld [tilespmem:s22+$0x170AA]  }
0xc1: {  	v5 =	vadd.f32 v9, v5;
	v9 =	vld [tilespmem:s22+$0xF82D]  }
0xc2: {  	v4 =	vadd.f32 v10, v4;
	v10 =	vld [tilespmem:s22+$0x178AD]  }
0xc3: {  	v5 =	vadd.f32 v6, v5  }
0xc4: {  	v4 =	vadd.f32 v7, v4  }
.Ltmp5:
0xc5: {  	v5 =	vadd.f32 v8, v5;
	(pc) =	sbr.rel @p0 .LBB2_11-.Ltmp5, $4  }
0xc6: {  	v4 =	vadd.f32 v9, v4  }
0xc7: {  	v5 =	vadd.f32 v10, v5  }
0xc8: {  	s24 =	sshra.s32 s23, $0x2;
	[tilespmem:s22+$0x8000] =	vst v4  }
0xc9: {  	s23 =	sadd.s32 $0x40, s23;
	v4 =	vld [tilespmem:s24+$0x8000];
	[tilespmem:s22+$0x10080] =	vst v5;
	s22 =	smov.u32 s24  }
0xca: {  	v5 =	vld [tilespmem:s22+$0x10080]  }
0xcb: {  	v6 =	vld [tilespmem:s22+$0x8803]  }
0xcc: {  	v7 =	vld [tilespmem:s22+$0x10883]  }
0xcd: {  	v8 =	vld [tilespmem:s22+$0x9006]  }
0xce: {  	v9 =	vld [tilespmem:s22+$0x11086];
	v4 =	vadd.f32 $0.0e+00, v4  }
0xcf: {  	v10 =	vld [tilespmem:s22+$0x9809];
	v5 =	vadd.f32 $0.0e+00, v5  }
0xd0: {  	v39 =	vld [tilespmem:s22+$0x11889];
	v4 =	vadd.f32 v6, v4  }
0xd1: {  	v40 =	vld [tilespmem:s22+$0xA00C];
	v5 =	vadd.f32 v7, v5  }
0xd2: {  	v41 =	vld [tilespmem:s22+$0x1208C];
	v4 =	vadd.f32 v8, v4  }
0xd3: {  	v42 =	vld [tilespmem:s22+$0xA80F];
	v5 =	vadd.f32 v9, v5  }
0xd4: {  	v43 =	vld [tilespmem:s22+$0x1288F];
	v4 =	vadd.f32 v10, v4  }
0xd5: {  	v44 =	vld [tilespmem:s22+$0xB012];
	v5 =	vadd.f32 v39, v5  }
0xd6: {  	v45 =	vld [tilespmem:s22+$0x13092];
	v4 =	vadd.f32 v40, v4  }
0xd7: {  	v46 =	vld [tilespmem:s22+$0xB815];
	v5 =	vadd.f32 v41, v5  }
0xd8: {  	v47 =	vld [tilespmem:s22+$0x13895];
	v4 =	vadd.f32 v42, v4  }
0xd9: {  	v48 =	vld [tilespmem:s22+$0xC018];
	v5 =	vadd.f32 v43, v5  }
0xda: {  	v49 =	vld [tilespmem:s22+$0x14098];
	v4 =	vadd.f32 v44, v4  }
0xdb: {  	v50 =	vld [tilespmem:s22+$0xC81B];
	v5 =	vadd.f32 v45, v5  }
0xdc: {  	v51 =	vld [tilespmem:s22+$0x1489B];
	v4 =	vadd.f32 v46, v4  }
0xdd: {  	v52 =	vld [tilespmem:s22+$0xD01E];
	v5 =	vadd.f32 v47, v5  }
0xde: {  	v53 =	vld [tilespmem:s22+$0x1509E];
	v4 =	vadd.f32 v48, v4  }
0xdf: {  	v54 =	vld [tilespmem:s22+$0xD821];
	v5 =	vadd.f32 v49, v5  }
0xe0: {  	v55 =	vld [tilespmem:s22+$0x158A1];
	v4 =	vadd.f32 v50, v4  }
0xe1: {  	v56 =	vld [tilespmem:s22+$0xE024];
	v5 =	vadd.f32 v51, v5  }
0xe2: {  	v57 =	vld [tilespmem:s22+$0x160A4];
	v4 =	vadd.f32 v52, v4  }
0xe3: {  	v58 =	vld [tilespmem:s22+$0xE827];
	v5 =	vadd.f32 v53, v5  }
0xe4: {  	v59 =	vld [tilespmem:s22+$0x168A7];
	v4 =	vadd.f32 v54, v4  }
0xe5: {  	v60 =	vld [tilespmem:s22+$0xF02A];
	v5 =	vadd.f32 v55, v5  }
0xe6: {  	v61 =	vld [tilespmem:s22+$0x170AA];
	v4 =	vadd.f32 v56, v4  }
0xe7: {  	v62 =	vld [tilespmem:s22+$0xF82D];
	v5 =	vadd.f32 v57, v5  }
0xe8: {  	v63 =	vld [tilespmem:s22+$0x178AD];
	v4 =	vadd.f32 v58, v4  }
0xe9: {  	v5 =	vadd.f32 v59, v5  }
0xea: {  	v4 =	vadd.f32 v60, v4  }
0xeb: {  	v5 =	vadd.f32 v61, v5  }
0xec: {  	v4 =	vadd.f32 v62, v4  }
0xed: {  	v5 =	vadd.f32 v63, v5  }
0xee: {  	[tilespmem:s22+$0x8000] =	vst v4  }
0xef: {  	[tilespmem:s22+$0x10080] =	vst v5  }
0xf0: {  	[hbm4b:s10+s3] =	stream.linear.scatter [tilespmem:s18], [sflag:$0x3], $0x808, $0x38;
	[tilespmem:$0x18200] =	vst v63  }
0xf1: {  	s21 =	sadd.s32 $0x1, s21;
	_ =	swait.ge [sflag:s14], $0x808  }
0xf2: {  	p0 =	sne.s32 s21, s12;
	[sflag:s14] =	ssyncset.done $0x0  }
.Ltmp6:
0xf3: {  	[sflag:s14] =	ssyncadd.s32 $0xFFFFF7F8;
	(pc) =	sbr.rel @p0 .LBB2_1-.Ltmp6, $4  }
0xf4: {  	[hbm4b:s11+s3] =	stream.linear.scatter [tilespmem:s19], [sflag:$0x3], $0x808, $0x38;
	[tilespmem:$0x18200] =	vst v63  }
0xf5: {  	_ =	swait.ge [sflag:s14], $0x808  }
0xf6: {  	[sflag:s14] =	ssyncset.done $0x0  }
0xf7: {  	[sflag:s14] =	ssyncadd.s32 $0xFFFFF7F8  }
0xf8: {  	_ =	sfence.sel $0x180000  }
0xf9: {  	[bflag:$0x0] =	sbarrier.arrive $0xFFFF  }
0xfa: {  	p0 =	sne.s32 s1, $0x0;
	_ =	strace $0x9000004A  }
0xfb: {  	s0 =	sadd.s32 @!p0 $0x100000, s0;
	[bflag:$0x2] =	sbarrier.arrive $0xFFFF  }
0xfc: {  	[sflag:s0] =	ssyncadd.tile.s32 @!p0 $0x1;
	_ =	shalt  }
.Lfunc_end2:
_tile_overlayer_lowered:
.L_overlay_start_2:
0xfd: {  	(tag) =	ssettag $0x2  }
0xfe: {  	s0 =	rddreg [dreg:$0x0];
	s2 =	stileid.u32  }
0xff: {  	s1 =	rddreg [dreg:$0x1];
	p0 =	sne.s32 s2, $0x0  }
0x100: {  	s3 =	rddreg [dreg:$0x2];
	[bflag:$0x3] =	sbarrier.arrive $0xFFFF;
	s2 =	simm.s32 @!p0 $0x1C03  }
0x101: {  	[timem:s3], [sflag:s2] =	dma.local @!p0 [hbm:s0], s1  }
0x102: {  	s0 =	simm.s32 @!p0 $0x3  }
0x103: {  	_ =	swait.ge @!p0 [sflag:s0], s1  }
0x104: {  	s1 =	ssub.s32 @!p0 $0x0, s1;
	[sflag:s0] =	ssyncset.done @!p0 $0x0  }
0x105: {  	[sflag:s0] =	ssyncadd.s32 @!p0 s1  }
0x106: {  	[bflag:$0x3] =	sbarrier.arrive $0xFFFF  }
0x107: {  	_ =	shalt  }

</sc_bundles>
